<compile_context>
chip_gen: v7x
topology: tpu7x:2x2x1
jax: 0.10.2.dev20260603
libtpu: 0.0.44.dev20260713+nightly
codegen_flags: <defaults>
</compile_context>

<pallas_src>
import functools

import jax
import jax.numpy as jnp
from jax import lax
from jax.experimental import pallas as pl
from jax.experimental.pallas import tpu as pltpu
from jax.experimental.pallas import tpu_sc as plsc



def _gate_body(xs_ref, xt_ref, wc_ref, wt_ref, bias_ref, mask_ref, wsq_ref,
               bsq_ref, a_ref, c_ref):
    dn = (((1,), (1,)), ((), ()))
    xs = xs_ref[...].astype(jnp.bfloat16)
    xt = xt_ref[...].astype(jnp.bfloat16)
    pre = (lax.dot_general(xs, wc_ref[...], dn,
                           preferred_element_type=jnp.float32)
           + lax.dot_general(xt, wt_ref[...], dn,
                             preferred_element_type=jnp.float32))
    t2 = jnp.tanh(pre + bias_ref[...])
    logit = lax.dot_general(t2, wsq_ref[...], dn,
                            preferred_element_type=jnp.float32)
    mask = mask_ref[...]
    a = jax.nn.sigmoid(logit * mask + bsq_ref[0]) * mask
    a_ref[...] = a
    c_ref[...] = mask - a


def _compute_gate(xs, xt, wc, wt, bias, mask2, wsq, bsq):
    rows, d_in = xs.shape
    d_h = wc.shape[0]
    blk_r = 512
    grid = (rows // blk_r,)
    return pl.pallas_call(
        _gate_body,
        grid=grid,
        in_specs=[
            pl.BlockSpec((blk_r, d_in), lambda r: (r, 0)),
            pl.BlockSpec((blk_r, d_in), lambda r: (r, 0)),
            pl.BlockSpec((d_h, d_in), lambda r: (0, 0)),
            pl.BlockSpec((d_h, d_in), lambda r: (0, 0)),
            pl.BlockSpec((1, d_h), lambda r: (0, 0)),
            pl.BlockSpec((blk_r, 1), lambda r: (r, 0)),
            pl.BlockSpec((1, d_h), lambda r: (0, 0)),
            pl.BlockSpec(memory_space=pltpu.SMEM),
        ],
        out_specs=[
            pl.BlockSpec((blk_r, 1), lambda r: (r, 0)),
            pl.BlockSpec((blk_r, 1), lambda r: (r, 0)),
        ],
        out_shape=[
            jax.ShapeDtypeStruct((rows, 1), jnp.float32),
            jax.ShapeDtypeStruct((rows, 1), jnp.float32),
        ],
    )(xs, xt, wc, wt, bias, mask2, wsq, bsq)



_LANES = 16
_NBUF = 4


def _scatter_body(t_rows, s_pad, vocab,
                  tsa_hbm, smask_hbm, idx_hbm, fs_hbm,
                  idx_v, smask_v, tsa_v, b0, b1, b2, b3, s0, s1, s2, s3):
    cid = lax.axis_index("c")
    sid = lax.axis_index("s")
    b = sid * 2 + cid
    row0 = b * t_rows

    pltpu.sync_copy(idx_hbm.at[b], idx_v)
    pltpu.sync_copy(smask_hbm.at[b], smask_v)
    pltpu.sync_copy(tsa_hbm.at[b], tsa_v)

    n_chunks = s_pad // _LANES
    bufs = (b0, b1, b2, b3)
    sems = (s0, s1, s2, s3)
    zero = jnp.zeros((_LANES,), jnp.float32)

    for i in range(_NBUF):
        buf = bufs[i]

        @plsc.parallel_loop(0, vocab, step=_LANES, unroll=8)
        def _(j):
            buf[pl.ds(j, _LANES)] = zero

    @pl.loop(0, t_rows, step=_NBUF)
    def _(g):
        for i in range(_NBUF):
            t = g + i
            buf, sem = bufs[i], sems[i]
            @pl.when(g >= _NBUF)
            def _():
                pltpu.make_async_copy(buf, fs_hbm.at[pl.ds(0, vocab)],
                                      sem).wait()
            for jc in range(n_chunks):
                cols = idx_v[pl.ds(jc * _LANES, _LANES)]
                plsc.store_scatter(buf, [cols], zero)
            for jc in range(n_chunks):
                cols = idx_v[pl.ds(jc * _LANES, _LANES)]
                val = (tsa_v[pl.ds(t * s_pad + jc * _LANES, _LANES)]
                       * smask_v[pl.ds(jc * _LANES, _LANES)])
                plsc.addupdate_scatter(buf, [cols], val)
            pltpu.async_copy(buf, fs_hbm.at[pl.ds((row0 + t) * vocab, vocab)],
                             sem)

    for i in range(_NBUF):
        pltpu.make_async_copy(bufs[i], fs_hbm.at[pl.ds(0, vocab)],
                              sems[i]).wait()


def _scatter_fs(tsa_p, smask_p, idx_p, n_rows, vocab):
    n_batch, t_rows, s_pad = tsa_p.shape
    mesh = plsc.VectorSubcoreMesh(core_axis_name="c", subcore_axis_name="s",
                                  num_cores=2, num_subcores=16)
    body = functools.partial(_scatter_body, t_rows, s_pad, vocab)
    return pl.kernel(
        body,
        out_type=jax.ShapeDtypeStruct((n_rows * vocab,), jnp.float32),
        mesh=mesh,
        compiler_params=pltpu.CompilerParams(needs_layout_passes=False),
        scratch_types=[
            pltpu.VMEM((s_pad,), jnp.int32),
            pltpu.VMEM((s_pad,), jnp.float32),
            pltpu.VMEM((t_rows * s_pad,), jnp.float32),
            pltpu.VMEM((vocab,), jnp.float32),
            pltpu.VMEM((vocab,), jnp.float32),
            pltpu.VMEM((vocab,), jnp.float32),
            pltpu.VMEM((vocab,), jnp.float32),
            pltpu.SemaphoreType.DMA,
            pltpu.SemaphoreType.DMA,
            pltpu.SemaphoreType.DMA,
            pltpu.SemaphoreType.DMA,
        ],
    )(tsa_p.reshape(n_batch, t_rows * s_pad), smask_p, idx_p)


def _fmerge_body(trg_ref, fs_ref, a_ref, c_ref, out_ref):
    out_ref[...] = (a_ref[...] * trg_ref[...]
                    + c_ref[...] * fs_ref[...])


def _final_merge(trg2, fs2, a2, c2):
    n_rows, vocab = trg2.shape
    blk_r = 128
    grid = (n_rows // blk_r,)
    return pl.pallas_call(
        _fmerge_body,
        grid=grid,
        in_specs=[
            pl.BlockSpec((blk_r, vocab), lambda r: (r, 0)),
            pl.BlockSpec((blk_r, vocab), lambda r: (r, 0)),
            pl.BlockSpec((blk_r, 1), lambda r: (r, 0)),
            pl.BlockSpec((blk_r, 1), lambda r: (r, 0)),
        ],
        out_specs=pl.BlockSpec((blk_r, vocab), lambda r: (r, 0)),
        out_shape=jax.ShapeDtypeStruct((n_rows, vocab), jnp.float32),
    )(trg2, fs2, a2, c2)



def kernel(target_target_representations, target_source_representations,
           trg_decoder_output, target_mask, target_source_attention,
           source_mask, input_source, W_ctx, b_ctx, W_tgt, b_tgt, W_sq, b_sq):
    batch, t_rows, d_in = target_target_representations.shape
    vocab = trg_decoder_output.shape[-1]
    s_len = target_source_attention.shape[-1]
    rows = batch * t_rows

    xs = target_source_representations.reshape(rows, d_in)
    xt = target_target_representations.reshape(rows, d_in)
    wc = W_ctx.astype(jnp.bfloat16)
    wt = W_tgt.astype(jnp.bfloat16)
    bias = (b_ctx + b_tgt).reshape(1, -1)
    mask2 = target_mask.reshape(rows, 1)
    bsq = b_sq.reshape(1)

    a2, c2 = _compute_gate(xs, xt, wc, wt, bias, mask2, W_sq, bsq)

    s_pad = ((s_len + _LANES - 1) // _LANES) * _LANES
    pad = s_pad - s_len
    tsa_p = jnp.pad(target_source_attention, ((0, 0), (0, 0), (0, pad)))
    smask_p = jnp.pad(source_mask, ((0, 0), (0, pad)))
    idx_p = jnp.pad(input_source.astype(jnp.int32), ((0, 0), (0, pad)))
    trg2 = trg_decoder_output.reshape(rows, vocab)

    fs_lin = _scatter_fs(tsa_p, smask_p, idx_p, rows, vocab)
    out2 = _final_merge(trg2, fs_lin.reshape(rows, vocab), a2, c2)
    return out2.reshape(batch, t_rows, vocab)

# --- scband reference (transcript-rebuilt; emitter-appended) ---
"""Pipeline reference for scband-pointer-softmax-42880953483364 (READ-ONLY COPY).

The authoritative reference and input builder live on the scoring server;
editing this copy changes nothing except your own understanding.
"""

import jax, jax.numpy as jnp
import numpy as np

B, T, S, V = 32, 64, 200, 8000
D_IN, D_H = 2048, 2048

def setup_inputs(seed: int = 0) -> dict:
    key = jax.random.key(seed)
    ks = jax.random.split(key, 12)
    ttr = jax.random.normal(ks[0], (B, T, D_IN), dtype=jnp.float32)
    tsr = jax.random.normal(ks[1], (B, T, D_IN), dtype=jnp.float32)
    trg_decoder_output = jax.random.uniform(ks[2], (B, T, V), dtype=jnp.float32)
    target_mask = jnp.ones((B, T), dtype=jnp.float32)
    target_source_attention = jax.random.uniform(ks[3], (B, T, S), dtype=jnp.float32)
    source_mask = jnp.ones((B, S), dtype=jnp.float32)
    input_source = jax.random.randint(ks[4], (B, S), 0, V, dtype=jnp.int64 if jax.config.jax_enable_x64 else jnp.int32)
    lim_ctx = 1.0 / np.sqrt(D_IN)
    W_ctx = jax.random.uniform(ks[5], (D_H, D_IN), minval=-lim_ctx, maxval=lim_ctx, dtype=jnp.float32)
    b_ctx = jax.random.uniform(ks[6], (D_H,), minval=-lim_ctx, maxval=lim_ctx, dtype=jnp.float32)
    W_tgt = jax.random.uniform(ks[7], (D_H, D_IN), minval=-lim_ctx, maxval=lim_ctx, dtype=jnp.float32)
    b_tgt = jax.random.uniform(ks[8], (D_H,), minval=-lim_ctx, maxval=lim_ctx, dtype=jnp.float32)
    lim_sq = 1.0 / np.sqrt(D_H)
    W_sq = jax.random.uniform(ks[9], (1, D_H), minval=-lim_sq, maxval=lim_sq, dtype=jnp.float32)
    b_sq = jax.random.uniform(ks[10], (1,), minval=-lim_sq, maxval=lim_sq, dtype=jnp.float32)
    return {
        'target_target_representations': ttr,
        'target_source_representations': tsr,
        'trg_decoder_output': trg_decoder_output,
        'target_mask': target_mask,
        'target_source_attention': target_source_attention,
        'source_mask': source_mask,
        'input_source': input_source,
        'W_ctx': W_ctx, 'b_ctx': b_ctx,
        'W_tgt': W_tgt, 'b_tgt': b_tgt,
        'W_sq': W_sq, 'b_sq': b_sq,
    }

def reference(target_target_representations, target_source_representations, trg_decoder_output, target_mask, target_source_attention, source_mask, input_source, W_ctx, b_ctx, W_tgt, b_tgt, W_sq, b_sq):
    batch_size, target_len, source_len = target_source_attention.shape
    vocab = trg_decoder_output.shape[-1]
    switch = target_source_representations @ W_ctx.T + b_ctx
    switch = switch + (target_target_representations @ W_tgt.T + b_tgt)
    switch = jnp.tanh(switch)
    switch = switch * target_mask[..., None]
    switch = (switch @ W_sq.T + b_sq).squeeze(-1)
    switch = jax.nn.sigmoid(switch)
    switch = switch * target_mask
    switch = switch[..., None]
    tsa = target_source_attention * source_mask[:, None, :]
    from_vocab = trg_decoder_output
    inp = jnp.broadcast_to(input_source[:, None, :], (batch_size, target_len, source_len))
    inp = inp.reshape(batch_size * target_len, source_len)
    rows = jnp.arange(batch_size * target_len)[:, None]
    from_source = jnp.zeros((batch_size * target_len, vocab), dtype=jnp.float32)
    from_source = from_source.at[rows, inp].add(tsa.reshape(batch_size * target_len, source_len))
    from_source = from_source.reshape(batch_size, target_len, vocab)
    merged = switch * from_vocab + (1.0 - switch) * from_source
    merged = merged * target_mask[..., None]
    return merged

if __name__ == "__main__":
    import jax
    _d = setup_inputs()
    print(jax.jit(kernel)(*tuple(_d.values())))

</pallas_src>

<mosaic_0001>
#map = affine_map<(d0, d1) -> (0, 0)>
#map1 = affine_map<(d0, d1) -> (0)>
module attributes {stable_mosaic.version = 14 : i64} {
  func.func @_scatter_body(%arg0: i32, %arg1: i32, %arg2: memref<32x13312xf32, #tpu.memory_space<hbm>>, %arg3: memref<32x208xf32, #tpu.memory_space<hbm>>, %arg4: memref<32x208xi32, #tpu.memory_space<hbm>>, %arg5: memref<16384000xf32, #tpu.memory_space<hbm>>, %arg6: memref<208xi32, #tpu.memory_space<vmem>>, %arg7: memref<208xf32, #tpu.memory_space<vmem>>, %arg8: memref<13312xf32, #tpu.memory_space<vmem>>, %arg9: memref<8000xf32, #tpu.memory_space<vmem>>, %arg10: memref<8000xf32, #tpu.memory_space<vmem>>, %arg11: memref<8000xf32, #tpu.memory_space<vmem>>, %arg12: memref<8000xf32, #tpu.memory_space<vmem>>, %arg13: memref<!tpu.dma_semaphore, #tpu.memory_space<semaphore_mem>>, %arg14: memref<!tpu.dma_semaphore, #tpu.memory_space<semaphore_mem>>, %arg15: memref<!tpu.dma_semaphore, #tpu.memory_space<semaphore_mem>>, %arg16: memref<!tpu.dma_semaphore, #tpu.memory_space<semaphore_mem>>) attributes {dimension_semantics = [#tpu.dimension_semantics<core_parallel>, #tpu.dimension_semantics<subcore_parallel>], iteration_bounds = array<i64: 2, 16>, scalar_prefetch = 0 : i64, scratch_operands = 11 : i64, tpu.core_type = #tpu.core_type<sc_vector_subcore>, window_params = [{transform_indices = #map}, {transform_indices = #map}, {transform_indices = #map}, {transform_indices = #map1}]} {
    %mul3A = arith.constant 2 : i32
    %mul3A_0 = arith.muli %arg1, %mul3A : i32
    %add3A = arith.addi %mul3A_0, %arg0 : i32
    %mul3A_1 = arith.constant 64 : i32
    %mul3A_2 = arith.muli %add3A, %mul3A_1 : i32
    "tpu.region"() ({
      %run_scoped3A = tpu.sem_alloc : memref<!tpu.dma_semaphore, #tpu.memory_space<semaphore_mem>>
      %dma_start3A = arith.constant 0 : i32
      %dma_start3A_34 = tpu.memref_slice %arg4[%add3A, %dma_start3A] : memref<32x208xi32, #tpu.memory_space<hbm>> -> memref<1x208xi32, #tpu.memory_space<hbm>>
      %dma_start3A_35 = tpu.memref_squeeze %dma_start3A_34 : memref<1x208xi32, #tpu.memory_space<hbm>> -> memref<208xi32, #tpu.memory_space<hbm>>
      %dma_start3A_36 = arith.constant 0 : i32
      %dma_start3A_37 = tpu.memref_slice %arg4[%add3A, %dma_start3A_36] : memref<32x208xi32, #tpu.memory_space<hbm>> -> memref<1x208xi32, #tpu.memory_space<hbm>>
      %dma_start3A_38 = tpu.memref_squeeze %dma_start3A_37 : memref<1x208xi32, #tpu.memory_space<hbm>> -> memref<208xi32, #tpu.memory_space<hbm>>
      tpu.enqueue_dma source(%dma_start3A_38 : memref<208xi32, #tpu.memory_space<hbm>>) target(%arg6 : memref<208xi32, #tpu.memory_space<vmem>>) target_semaphore(%run_scoped3A : memref<!tpu.dma_semaphore, #tpu.memory_space<semaphore_mem>>)
      %dma_wait3A_39 = arith.constant 0 : i32
      %dma_wait3A_40 = tpu.memref_slice %arg4[%add3A, %dma_wait3A_39] : memref<32x208xi32, #tpu.memory_space<hbm>> -> memref<1x208xi32, #tpu.memory_space<hbm>>
      %dma_wait3A_41 = tpu.memref_squeeze %dma_wait3A_40 : memref<1x208xi32, #tpu.memory_space<hbm>> -> memref<208xi32, #tpu.memory_space<hbm>>
      %dma_wait3A_42 = arith.constant 0 : i32
      %dma_wait3A_43 = tpu.memref_slice %arg4[%add3A, %dma_wait3A_42] : memref<32x208xi32, #tpu.memory_space<hbm>> -> memref<1x208xi32, #tpu.memory_space<hbm>>
      %dma_wait3A_44 = tpu.memref_squeeze %dma_wait3A_43 : memref<1x208xi32, #tpu.memory_space<hbm>> -> memref<208xi32, #tpu.memory_space<hbm>>
      tpu.wait_dma2 semaphore(%run_scoped3A : memref<!tpu.dma_semaphore, #tpu.memory_space<semaphore_mem>>) src(%dma_wait3A_44 : memref<208xi32, #tpu.memory_space<hbm>>) dst(%arg6 : memref<208xi32, #tpu.memory_space<vmem>>)
      tpu.yield
    }) : () -> ()
    "tpu.region"() ({
      %run_scoped3A = tpu.sem_alloc : memref<!tpu.dma_semaphore, #tpu.memory_space<semaphore_mem>>
      %dma_start3A = arith.constant 0 : i32
      %dma_start3A_34 = tpu.memref_slice %arg3[%add3A, %dma_start3A] : memref<32x208xf32, #tpu.memory_space<hbm>> -> memref<1x208xf32, #tpu.memory_space<hbm>>
      %dma_start3A_35 = tpu.memref_squeeze %dma_start3A_34 : memref<1x208xf32, #tpu.memory_space<hbm>> -> memref<208xf32, #tpu.memory_space<hbm>>
      %dma_start3A_36 = arith.constant 0 : i32
      %dma_start3A_37 = tpu.memref_slice %arg3[%add3A, %dma_start3A_36] : memref<32x208xf32, #tpu.memory_space<hbm>> -> memref<1x208xf32, #tpu.memory_space<hbm>>
      %dma_start3A_38 = tpu.memref_squeeze %dma_start3A_37 : memref<1x208xf32, #tpu.memory_space<hbm>> -> memref<208xf32, #tpu.memory_space<hbm>>
      tpu.enqueue_dma source(%dma_start3A_38 : memref<208xf32, #tpu.memory_space<hbm>>) target(%arg7 : memref<208xf32, #tpu.memory_space<vmem>>) target_semaphore(%run_scoped3A : memref<!tpu.dma_semaphore, #tpu.memory_space<semaphore_mem>>)
      %dma_wait3A_39 = arith.constant 0 : i32
      %dma_wait3A_40 = tpu.memref_slice %arg3[%add3A, %dma_wait3A_39] : memref<32x208xf32, #tpu.memory_space<hbm>> -> memref<1x208xf32, #tpu.memory_space<hbm>>
      %dma_wait3A_41 = tpu.memref_squeeze %dma_wait3A_40 : memref<1x208xf32, #tpu.memory_space<hbm>> -> memref<208xf32, #tpu.memory_space<hbm>>
      %dma_wait3A_42 = arith.constant 0 : i32
      %dma_wait3A_43 = tpu.memref_slice %arg3[%add3A, %dma_wait3A_42] : memref<32x208xf32, #tpu.memory_space<hbm>> -> memref<1x208xf32, #tpu.memory_space<hbm>>
      %dma_wait3A_44 = tpu.memref_squeeze %dma_wait3A_43 : memref<1x208xf32, #tpu.memory_space<hbm>> -> memref<208xf32, #tpu.memory_space<hbm>>
      tpu.wait_dma2 semaphore(%run_scoped3A : memref<!tpu.dma_semaphore, #tpu.memory_space<semaphore_mem>>) src(%dma_wait3A_44 : memref<208xf32, #tpu.memory_space<hbm>>) dst(%arg7 : memref<208xf32, #tpu.memory_space<vmem>>)
      tpu.yield
    }) : () -> ()
    "tpu.region"() ({
      %run_scoped3A = tpu.sem_alloc : memref<!tpu.dma_semaphore, #tpu.memory_space<semaphore_mem>>
      %dma_start3A = arith.constant 0 : i32
      %dma_start3A_34 = tpu.memref_slice %arg2[%add3A, %dma_start3A] : memref<32x13312xf32, #tpu.memory_space<hbm>> -> memref<1x13312xf32, #tpu.memory_space<hbm>>
      %dma_start3A_35 = tpu.memref_squeeze %dma_start3A_34 : memref<1x13312xf32, #tpu.memory_space<hbm>> -> memref<13312xf32, #tpu.memory_space<hbm>>
      %dma_start3A_36 = arith.constant 0 : i32
      %dma_start3A_37 = tpu.memref_slice %arg2[%add3A, %dma_start3A_36] : memref<32x13312xf32, #tpu.memory_space<hbm>> -> memref<1x13312xf32, #tpu.memory_space<hbm>>
      %dma_start3A_38 = tpu.memref_squeeze %dma_start3A_37 : memref<1x13312xf32, #tpu.memory_space<hbm>> -> memref<13312xf32, #tpu.memory_space<hbm>>
      tpu.enqueue_dma source(%dma_start3A_38 : memref<13312xf32, #tpu.memory_space<hbm>>) target(%arg8 : memref<13312xf32, #tpu.memory_space<vmem>>) target_semaphore(%run_scoped3A : memref<!tpu.dma_semaphore, #tpu.memory_space<semaphore_mem>>)
      %dma_wait3A_39 = arith.constant 0 : i32
      %dma_wait3A_40 = tpu.memref_slice %arg2[%add3A, %dma_wait3A_39] : memref<32x13312xf32, #tpu.memory_space<hbm>> -> memref<1x13312xf32, #tpu.memory_space<hbm>>
      %dma_wait3A_41 = tpu.memref_squeeze %dma_wait3A_40 : memref<1x13312xf32, #tpu.memory_space<hbm>> -> memref<13312xf32, #tpu.memory_space<hbm>>
      %dma_wait3A_42 = arith.constant 0 : i32
      %dma_wait3A_43 = tpu.memref_slice %arg2[%add3A, %dma_wait3A_42] : memref<32x13312xf32, #tpu.memory_space<hbm>> -> memref<1x13312xf32, #tpu.memory_space<hbm>>
      %dma_wait3A_44 = tpu.memref_squeeze %dma_wait3A_43 : memref<1x13312xf32, #tpu.memory_space<hbm>> -> memref<13312xf32, #tpu.memory_space<hbm>>
      tpu.wait_dma2 semaphore(%run_scoped3A : memref<!tpu.dma_semaphore, #tpu.memory_space<semaphore_mem>>) src(%dma_wait3A_44 : memref<13312xf32, #tpu.memory_space<hbm>>) dst(%arg8 : memref<13312xf32, #tpu.memory_space<vmem>>)
      tpu.yield
    }) : () -> ()
    %broadcast_in_dim3A = arith.constant 0.000000e+00 : f32
    %broadcast_in_dim3A_3 = vector.broadcast %broadcast_in_dim3A : f32 to vector<16xf32>
    %parallel_loop3A = arith.constant 0 : i32
    %parallel_loop3A_4 = arith.constant 8000 : i32
    %parallel_loop3A_5 = arith.constant 16 : i32
    scf.for %parallel_loop3A_34 = %parallel_loop3A to %parallel_loop3A_4 step %parallel_loop3A_5  : i32 {
      %parallel_loop3A_35 = arith.index_cast %parallel_loop3A_34 : i32 to index
      %parallel_loop3A_36 = tpu.vector_load %arg9[%parallel_loop3A_35] {strides = array<i32>} : memref<8000xf32, #tpu.memory_space<vmem>>, vector<16xf32>,
      tpu.vector_store %arg9[%parallel_loop3A_35], %broadcast_in_dim3A_3 {strides = array<i32>} : memref<8000xf32, #tpu.memory_space<vmem>>, vector<16xf32>,
    } {sc.loop_unroll_factor = 8 : i64, sc.parallel_access}
    %parallel_loop3A_6 = arith.constant 0 : i32
    %parallel_loop3A_7 = arith.constant 8000 : i32
    %parallel_loop3A_8 = arith.constant 16 : i32
    scf.for %parallel_loop3A_34 = %parallel_loop3A_6 to %parallel_loop3A_7 step %parallel_loop3A_8  : i32 {
      %parallel_loop3A_35 = arith.index_cast %parallel_loop3A_34 : i32 to index
      %parallel_loop3A_36 = tpu.vector_load %arg10[%parallel_loop3A_35] {strides = array<i32>} : memref<8000xf32, #tpu.memory_space<vmem>>, vector<16xf32>,
      tpu.vector_store %arg10[%parallel_loop3A_35], %broadcast_in_dim3A_3 {strides = array<i32>} : memref<8000xf32, #tpu.memory_space<vmem>>, vector<16xf32>,
    } {sc.loop_unroll_factor = 8 : i64, sc.parallel_access}
    %parallel_loop3A_9 = arith.constant 0 : i32
    %parallel_loop3A_10 = arith.constant 8000 : i32
    %parallel_loop3A_11 = arith.constant 16 : i32
    scf.for %parallel_loop3A_34 = %parallel_loop3A_9 to %parallel_loop3A_10 step %parallel_loop3A_11  : i32 {
      %parallel_loop3A_35 = arith.index_cast %parallel_loop3A_34 : i32 to index
      %parallel_loop3A_36 = tpu.vector_load %arg11[%parallel_loop3A_35] {strides = array<i32>} : memref<8000xf32, #tpu.memory_space<vmem>>, vector<16xf32>,
      tpu.vector_store %arg11[%parallel_loop3A_35], %broadcast_in_dim3A_3 {strides = array<i32>} : memref<8000xf32, #tpu.memory_space<vmem>>, vector<16xf32>,
    } {sc.loop_unroll_factor = 8 : i64, sc.parallel_access}
    %parallel_loop3A_12 = arith.constant 0 : i32
    %parallel_loop3A_13 = arith.constant 8000 : i32
    %parallel_loop3A_14 = arith.constant 16 : i32
    scf.for %parallel_loop3A_34 = %parallel_loop3A_12 to %parallel_loop3A_13 step %parallel_loop3A_14  : i32 {
      %parallel_loop3A_35 = arith.index_cast %parallel_loop3A_34 : i32 to index
      %parallel_loop3A_36 = tpu.vector_load %arg12[%parallel_loop3A_35] {strides = array<i32>} : memref<8000xf32, #tpu.memory_space<vmem>>, vector<16xf32>,
      tpu.vector_store %arg12[%parallel_loop3A_35], %broadcast_in_dim3A_3 {strides = array<i32>} : memref<8000xf32, #tpu.memory_space<vmem>>, vector<16xf32>,
    } {sc.loop_unroll_factor = 8 : i64, sc.parallel_access}
    %scan3A = arith.constant 0 : i32
    %scan3A_15 = arith.constant 16 : i32
    %scan3A_16 = arith.addi %scan3A, %scan3A_15 : i32
    %scan3A_17 = arith.constant 1 : i32
    scf.for %scan3A_34 = %scan3A to %scan3A_16 step %scan3A_17  : i32 {
      %mul3A_35 = arith.constant 4 : i32
      %mul3A_36 = arith.muli %scan3A_34, %mul3A_35 : i32
      %add3A_37 = arith.constant 0 : i32
      %add3A_38 = arith.addi %add3A_37, %mul3A_36 : i32
      %add3A_39 = arith.constant 0 : i32
      %add3A_40 = arith.addi %add3A_38, %add3A_39 : i32
      %ge3A = arith.constant 4 : i32
      %ge3A_41 = arith.cmpi sge, %add3A_38, %ge3A : i32
      %convert_element_type3A = arith.extui %ge3A_41 : i1 to i32
      %cond3A = arith.constant 0 : i32
      %cond3A_42 = arith.cmpi ne, %convert_element_type3A, %cond3A : i32
      scf.if %cond3A_42 {
        %dma_wait3A_758 = arith.constant 0 : i32
        %dma_wait3A_759 = tpu.memref_slice %arg5[%dma_wait3A_758] : memref<16384000xf32, #tpu.memory_space<hbm>> -> memref<8000xf32, #tpu.memory_space<hbm>>
        %dma_wait3A_760 = arith.constant 0 : i32
        %dma_wait3A_761 = tpu.memref_slice %arg5[%dma_wait3A_760] : memref<16384000xf32, #tpu.memory_space<hbm>> -> memref<8000xf32, #tpu.memory_space<hbm>>
        tpu.wait_dma2 semaphore(%arg13 : memref<!tpu.dma_semaphore, #tpu.memory_space<semaphore_mem>>) src(%arg9 : memref<8000xf32, #tpu.memory_space<vmem>>) dst(%dma_wait3A_761 : memref<8000xf32, #tpu.memory_space<hbm>>)
      } else {
      }
      %get3A = arith.constant 0 : index
      %get3A_43 = tpu.vector_load %arg6[%get3A] {strides = array<i32>} : memref<208xi32, #tpu.memory_space<vmem>>, vector<16xi32>,
      tpu.vector_store_idx %arg9[%get3A_43], %broadcast_in_dim3A_3 : memref<8000xf32, #tpu.memory_space<vmem>>[vector<16xi32>], vector<16xf32>,
      %get3A_44 = arith.constant 16 : index
      %get3A_45 = tpu.vector_load %arg6[%get3A_44] {strides = array<i32>} : memref<208xi32, #tpu.memory_space<vmem>>, vector<16xi32>,
      tpu.vector_store_idx %arg9[%get3A_45], %broadcast_in_dim3A_3 : memref<8000xf32, #tpu.memory_space<vmem>>[vector<16xi32>], vector<16xf32>,
      %get3A_46 = arith.constant 32 : index
      %get3A_47 = tpu.vector_load %arg6[%get3A_46] {strides = array<i32>} : memref<208xi32, #tpu.memory_space<vmem>>, vector<16xi32>,
      tpu.vector_store_idx %arg9[%get3A_47], %broadcast_in_dim3A_3 : memref<8000xf32, #tpu.memory_space<vmem>>[vector<16xi32>], vector<16xf32>,
      %get3A_48 = arith.constant 48 : index
      %get3A_49 = tpu.vector_load %arg6[%get3A_48] {strides = array<i32>} : memref<208xi32, #tpu.memory_space<vmem>>, vector<16xi32>,
      tpu.vector_store_idx %arg9[%get3A_49], %broadcast_in_dim3A_3 : memref<8000xf32, #tpu.memory_space<vmem>>[vector<16xi32>], vector<16xf32>,
      %get3A_50 = arith.constant 64 : index
      %get3A_51 = tpu.vector_load %arg6[%get3A_50] {strides = array<i32>} : memref<208xi32, #tpu.memory_space<vmem>>, vector<16xi32>,
      tpu.vector_store_idx %arg9[%get3A_51], %broadcast_in_dim3A_3 : memref<8000xf32, #tpu.memory_space<vmem>>[vector<16xi32>], vector<16xf32>,
      %get3A_52 = arith.constant 80 : index
      %get3A_53 = tpu.vector_load %arg6[%get3A_52] {strides = array<i32>} : memref<208xi32, #tpu.memory_space<vmem>>, vector<16xi32>,
      tpu.vector_store_idx %arg9[%get3A_53], %broadcast_in_dim3A_3 : memref<8000xf32, #tpu.memory_space<vmem>>[vector<16xi32>], vector<16xf32>,
      %get3A_54 = arith.constant 96 : index
      %get3A_55 = tpu.vector_load %arg6[%get3A_54] {strides = array<i32>} : memref<208xi32, #tpu.memory_space<vmem>>, vector<16xi32>,
      tpu.vector_store_idx %arg9[%get3A_55], %broadcast_in_dim3A_3 : memref<8000xf32, #tpu.memory_space<vmem>>[vector<16xi32>], vector<16xf32>,
      %get3A_56 = arith.constant 112 : index
      %get3A_57 = tpu.vector_load %arg6[%get3A_56] {strides = array<i32>} : memref<208xi32, #tpu.memory_space<vmem>>, vector<16xi32>,
      tpu.vector_store_idx %arg9[%get3A_57], %broadcast_in_dim3A_3 : memref<8000xf32, #tpu.memory_space<vmem>>[vector<16xi32>], vector<16xf32>,
      %get3A_58 = arith.constant 128 : index
      %get3A_59 = tpu.vector_load %arg6[%get3A_58] {strides = array<i32>} : memref<208xi32, #tpu.memory_space<vmem>>, vector<16xi32>,
      tpu.vector_store_idx %arg9[%get3A_59], %broadcast_in_dim3A_3 : memref<8000xf32, #tpu.memory_space<vmem>>[vector<16xi32>], vector<16xf32>,
      %get3A_60 = arith.constant 144 : index
      %get3A_61 = tpu.vector_load %arg6[%get3A_60] {strides = array<i32>} : memref<208xi32, #tpu.memory_space<vmem>>, vector<16xi32>,
      tpu.vector_store_idx %arg9[%get3A_61], %broadcast_in_dim3A_3 : memref<8000xf32, #tpu.memory_space<vmem>>[vector<16xi32>], vector<16xf32>,
      %get3A_62 = arith.constant 160 : index
      %get3A_63 = tpu.vector_load %arg6[%get3A_62] {strides = array<i32>} : memref<208xi32, #tpu.memory_space<vmem>>, vector<16xi32>,
      tpu.vector_store_idx %arg9[%get3A_63], %broadcast_in_dim3A_3 : memref<8000xf32, #tpu.memory_space<vmem>>[vector<16xi32>], vector<16xf32>,
      %get3A_64 = arith.constant 176 : index
      %get3A_65 = tpu.vector_load %arg6[%get3A_64] {strides = array<i32>} : memref<208xi32, #tpu.memory_space<vmem>>, vector<16xi32>,
      tpu.vector_store_idx %arg9[%get3A_65], %broadcast_in_dim3A_3 : memref<8000xf32, #tpu.memory_space<vmem>>[vector<16xi32>], vector<16xf32>,
      %get3A_66 = arith.constant 192 : index
      %get3A_67 = tpu.vector_load %arg6[%get3A_66] {strides = array<i32>} : memref<208xi32, #tpu.memory_space<vmem>>, vector<16xi32>,
      tpu.vector_store_idx %arg9[%get3A_67], %broadcast_in_dim3A_3 : memref<8000xf32, #tpu.memory_space<vmem>>[vector<16xi32>], vector<16xf32>,
      %get3A_68 = arith.constant 0 : index
      %get3A_69 = tpu.vector_load %arg6[%get3A_68] {strides = array<i32>} : memref<208xi32, #tpu.memory_space<vmem>>, vector<16xi32>,
      %mul3A_70 = arith.constant 208 : i32
      %mul3A_71 = arith.muli %add3A_40, %mul3A_70 : i32
      %add3A_72 = arith.constant 0 : i32
      %add3A_73 = arith.addi %mul3A_71, %add3A_72 : i32
      %get3A_74 = arith.index_cast %add3A_73 : i32 to index
      %get3A_75 = tpu.vector_load %arg8[%get3A_74] {strides = array<i32>} : memref<13312xf32, #tpu.memory_space<vmem>>, vector<16xf32>,
      %get3A_76 = arith.constant 0 : index
      %get3A_77 = tpu.vector_load %arg7[%get3A_76] {strides = array<i32>} : memref<208xf32, #tpu.memory_space<vmem>>, vector<16xf32>,
      %mul3A_78 = arith.mulf %get3A_75, %get3A_77 : vector<16xf32>
      tpu.vector_store_idx %arg9[%get3A_69], %mul3A_78 {add = true} : memref<8000xf32, #tpu.memory_space<vmem>>[vector<16xi32>], vector<16xf32>,
      %get3A_79 = arith.constant 16 : index
      %get3A_80 = tpu.vector_load %arg6[%get3A_79] {strides = array<i32>} : memref<208xi32, #tpu.memory_space<vmem>>, vector<16xi32>,
      %mul3A_81 = arith.constant 208 : i32
      %mul3A_82 = arith.muli %add3A_40, %mul3A_81 : i32
      %add3A_83 = arith.constant 16 : i32
      %add3A_84 = arith.addi %mul3A_82, %add3A_83 : i32
      %get3A_85 = arith.index_cast %add3A_84 : i32 to index
      %get3A_86 = tpu.vector_load %arg8[%get3A_85] {strides = array<i32>} : memref<13312xf32, #tpu.memory_space<vmem>>, vector<16xf32>,
      %get3A_87 = arith.constant 16 : index
      %get3A_88 = tpu.vector_load %arg7[%get3A_87] {strides = array<i32>} : memref<208xf32, #tpu.memory_space<vmem>>, vector<16xf32>,
      %mul3A_89 = arith.mulf %get3A_86, %get3A_88 : vector<16xf32>
      tpu.vector_store_idx %arg9[%get3A_80], %mul3A_89 {add = true} : memref<8000xf32, #tpu.memory_space<vmem>>[vector<16xi32>], vector<16xf32>,
      %get3A_90 = arith.constant 32 : index
      %get3A_91 = tpu.vector_load %arg6[%get3A_90] {strides = array<i32>} : memref<208xi32, #tpu.memory_space<vmem>>, vector<16xi32>,
      %mul3A_92 = arith.constant 208 : i32
      %mul3A_93 = arith.muli %add3A_40, %mul3A_92 : i32
      %add3A_94 = arith.constant 32 : i32
      %add3A_95 = arith.addi %mul3A_93, %add3A_94 : i32
      %get3A_96 = arith.index_cast %add3A_95 : i32 to index
      %get3A_97 = tpu.vector_load %arg8[%get3A_96] {strides = array<i32>} : memref<13312xf32, #tpu.memory_space<vmem>>, vector<16xf32>,
      %get3A_98 = arith.constant 32 : index
      %get3A_99 = tpu.vector_load %arg7[%get3A_98] {strides = array<i32>} : memref<208xf32, #tpu.memory_space<vmem>>, vector<16xf32>,
      %mul3A_100 = arith.mulf %get3A_97, %get3A_99 : vector<16xf32>
      tpu.vector_store_idx %arg9[%get3A_91], %mul3A_100 {add = true} : memref<8000xf32, #tpu.memory_space<vmem>>[vector<16xi32>], vector<16xf32>,
      %get3A_101 = arith.constant 48 : index
      %get3A_102 = tpu.vector_load %arg6[%get3A_101] {strides = array<i32>} : memref<208xi32, #tpu.memory_space<vmem>>, vector<16xi32>,
      %mul3A_103 = arith.constant 208 : i32
      %mul3A_104 = arith.muli %add3A_40, %mul3A_103 : i32
      %add3A_105 = arith.constant 48 : i32
      %add3A_106 = arith.addi %mul3A_104, %add3A_105 : i32
      %get3A_107 = arith.index_cast %add3A_106 : i32 to index
      %get3A_108 = tpu.vector_load %arg8[%get3A_107] {strides = array<i32>} : memref<13312xf32, #tpu.memory_space<vmem>>, vector<16xf32>,
      %get3A_109 = arith.constant 48 : index
      %get3A_110 = tpu.vector_load %arg7[%get3A_109] {strides = array<i32>} : memref<208xf32, #tpu.memory_space<vmem>>, vector<16xf32>,
      %mul3A_111 = arith.mulf %get3A_108, %get3A_110 : vector<16xf32>
      tpu.vector_store_idx %arg9[%get3A_102], %mul3A_111 {add = true} : memref<8000xf32, #tpu.memory_space<vmem>>[vector<16xi32>], vector<16xf32>,
      %get3A_112 = arith.constant 64 : index
      %get3A_113 = tpu.vector_load %arg6[%get3A_112] {strides = array<i32>} : memref<208xi32, #tpu.memory_space<vmem>>, vector<16xi32>,
      %mul3A_114 = arith.constant 208 : i32
      %mul3A_115 = arith.muli %add3A_40, %mul3A_114 : i32
      %add3A_116 = arith.constant 64 : i32
      %add3A_117 = arith.addi %mul3A_115, %add3A_116 : i32
      %get3A_118 = arith.index_cast %add3A_117 : i32 to index
      %get3A_119 = tpu.vector_load %arg8[%get3A_118] {strides = array<i32>} : memref<13312xf32, #tpu.memory_space<vmem>>, vector<16xf32>,
      %get3A_120 = arith.constant 64 : index
      %get3A_121 = tpu.vector_load %arg7[%get3A_120] {strides = array<i32>} : memref<208xf32, #tpu.memory_space<vmem>>, vector<16xf32>,
      %mul3A_122 = arith.mulf %get3A_119, %get3A_121 : vector<16xf32>
      tpu.vector_store_idx %arg9[%get3A_113], %mul3A_122 {add = true} : memref<8000xf32, #tpu.memory_space<vmem>>[vector<16xi32>], vector<16xf32>,
      %get3A_123 = arith.constant 80 : index
      %get3A_124 = tpu.vector_load %arg6[%get3A_123] {strides = array<i32>} : memref<208xi32, #tpu.memory_space<vmem>>, vector<16xi32>,
      %mul3A_125 = arith.constant 208 : i32
      %mul3A_126 = arith.muli %add3A_40, %mul3A_125 : i32
      %add3A_127 = arith.constant 80 : i32
      %add3A_128 = arith.addi %mul3A_126, %add3A_127 : i32
      %get3A_129 = arith.index_cast %add3A_128 : i32 to index
      %get3A_130 = tpu.vector_load %arg8[%get3A_129] {strides = array<i32>} : memref<13312xf32, #tpu.memory_space<vmem>>, vector<16xf32>,
      %get3A_131 = arith.constant 80 : index
      %get3A_132 = tpu.vector_load %arg7[%get3A_131] {strides = array<i32>} : memref<208xf32, #tpu.memory_space<vmem>>, vector<16xf32>,
      %mul3A_133 = arith.mulf %get3A_130, %get3A_132 : vector<16xf32>
      tpu.vector_store_idx %arg9[%get3A_124], %mul3A_133 {add = true} : memref<8000xf32, #tpu.memory_space<vmem>>[vector<16xi32>], vector<16xf32>,
      %get3A_134 = arith.constant 96 : index
      %get3A_135 = tpu.vector_load %arg6[%get3A_134] {strides = array<i32>} : memref<208xi32, #tpu.memory_space<vmem>>, vector<16xi32>,
      %mul3A_136 = arith.constant 208 : i32
      %mul3A_137 = arith.muli %add3A_40, %mul3A_136 : i32
      %add3A_138 = arith.constant 96 : i32
      %add3A_139 = arith.addi %mul3A_137, %add3A_138 : i32
      %get3A_140 = arith.index_cast %add3A_139 : i32 to index
      %get3A_141 = tpu.vector_load %arg8[%get3A_140] {strides = array<i32>} : memref<13312xf32, #tpu.memory_space<vmem>>, vector<16xf32>,
      %get3A_142 = arith.constant 96 : index
      %get3A_143 = tpu.vector_load %arg7[%get3A_142] {strides = array<i32>} : memref<208xf32, #tpu.memory_space<vmem>>, vector<16xf32>,
      %mul3A_144 = arith.mulf %get3A_141, %get3A_143 : vector<16xf32>
      tpu.vector_store_idx %arg9[%get3A_135], %mul3A_144 {add = true} : memref<8000xf32, #tpu.memory_space<vmem>>[vector<16xi32>], vector<16xf32>,
      %get3A_145 = arith.constant 112 : index
      %get3A_146 = tpu.vector_load %arg6[%get3A_145] {strides = array<i32>} : memref<208xi32, #tpu.memory_space<vmem>>, vector<16xi32>,
      %mul3A_147 = arith.constant 208 : i32
      %mul3A_148 = arith.muli %add3A_40, %mul3A_147 : i32
      %add3A_149 = arith.constant 112 : i32
      %add3A_150 = arith.addi %mul3A_148, %add3A_149 : i32
      %get3A_151 = arith.index_cast %add3A_150 : i32 to index
      %get3A_152 = tpu.vector_load %arg8[%get3A_151] {strides = array<i32>} : memref<13312xf32, #tpu.memory_space<vmem>>, vector<16xf32>,
      %get3A_153 = arith.constant 112 : index
      %get3A_154 = tpu.vector_load %arg7[%get3A_153] {strides = array<i32>} : memref<208xf32, #tpu.memory_space<vmem>>, vector<16xf32>,
      %mul3A_155 = arith.mulf %get3A_152, %get3A_154 : vector<16xf32>
      tpu.vector_store_idx %arg9[%get3A_146], %mul3A_155 {add = true} : memref<8000xf32, #tpu.memory_space<vmem>>[vector<16xi32>], vector<16xf32>,
      %get3A_156 = arith.constant 128 : index
      %get3A_157 = tpu.vector_load %arg6[%get3A_156] {strides = array<i32>} : memref<208xi32, #tpu.memory_space<vmem>>, vector<16xi32>,
      %mul3A_158 = arith.constant 208 : i32
      %mul3A_159 = arith.muli %add3A_40, %mul3A_158 : i32
      %add3A_160 = arith.constant 128 : i32
      %add3A_161 = arith.addi %mul3A_159, %add3A_160 : i32
      %get3A_162 = arith.index_cast %add3A_161 : i32 to index
      %get3A_163 = tpu.vector_load %arg8[%get3A_162] {strides = array<i32>} : memref<13312xf32, #tpu.memory_space<vmem>>, vector<16xf32>,
      %get3A_164 = arith.constant 128 : index
      %get3A_165 = tpu.vector_load %arg7[%get3A_164] {strides = array<i32>} : memref<208xf32, #tpu.memory_space<vmem>>, vector<16xf32>,
      %mul3A_166 = arith.mulf %get3A_163, %get3A_165 : vector<16xf32>
      tpu.vector_store_idx %arg9[%get3A_157], %mul3A_166 {add = true} : memref<8000xf32, #tpu.memory_space<vmem>>[vector<16xi32>], vector<16xf32>,
      %get3A_167 = arith.constant 144 : index
      %get3A_168 = tpu.vector_load %arg6[%get3A_167] {strides = array<i32>} : memref<208xi32, #tpu.memory_space<vmem>>, vector<16xi32>,
      %mul3A_169 = arith.constant 208 : i32
      %mul3A_170 = arith.muli %add3A_40, %mul3A_169 : i32
      %add3A_171 = arith.constant 144 : i32
      %add3A_172 = arith.addi %mul3A_170, %add3A_171 : i32
      %get3A_173 = arith.index_cast %add3A_172 : i32 to index
      %get3A_174 = tpu.vector_load %arg8[%get3A_173] {strides = array<i32>} : memref<13312xf32, #tpu.memory_space<vmem>>, vector<16xf32>,
      %get3A_175 = arith.constant 144 : index
      %get3A_176 = tpu.vector_load %arg7[%get3A_175] {strides = array<i32>} : memref<208xf32, #tpu.memory_space<vmem>>, vector<16xf32>,
      %mul3A_177 = arith.mulf %get3A_174, %get3A_176 : vector<16xf32>
      tpu.vector_store_idx %arg9[%get3A_168], %mul3A_177 {add = true} : memref<8000xf32, #tpu.memory_space<vmem>>[vector<16xi32>], vector<16xf32>,
      %get3A_178 = arith.constant 160 : index
      %get3A_179 = tpu.vector_load %arg6[%get3A_178] {strides = array<i32>} : memref<208xi32, #tpu.memory_space<vmem>>, vector<16xi32>,
      %mul3A_180 = arith.constant 208 : i32
      %mul3A_181 = arith.muli %add3A_40, %mul3A_180 : i32
      %add3A_182 = arith.constant 160 : i32
      %add3A_183 = arith.addi %mul3A_181, %add3A_182 : i32
      %get3A_184 = arith.index_cast %add3A_183 : i32 to index
      %get3A_185 = tpu.vector_load %arg8[%get3A_184] {strides = array<i32>} : memref<13312xf32, #tpu.memory_space<vmem>>, vector<16xf32>,
      %get3A_186 = arith.constant 160 : index
      %get3A_187 = tpu.vector_load %arg7[%get3A_186] {strides = array<i32>} : memref<208xf32, #tpu.memory_space<vmem>>, vector<16xf32>,
      %mul3A_188 = arith.mulf %get3A_185, %get3A_187 : vector<16xf32>
      tpu.vector_store_idx %arg9[%get3A_179], %mul3A_188 {add = true} : memref<8000xf32, #tpu.memory_space<vmem>>[vector<16xi32>], vector<16xf32>,
      %get3A_189 = arith.constant 176 : index
      %get3A_190 = tpu.vector_load %arg6[%get3A_189] {strides = array<i32>} : memref<208xi32, #tpu.memory_space<vmem>>, vector<16xi32>,
      %mul3A_191 = arith.constant 208 : i32
      %mul3A_192 = arith.muli %add3A_40, %mul3A_191 : i32
      %add3A_193 = arith.constant 176 : i32
      %add3A_194 = arith.addi %mul3A_192, %add3A_193 : i32
      %get3A_195 = arith.index_cast %add3A_194 : i32 to index
      %get3A_196 = tpu.vector_load %arg8[%get3A_195] {strides = array<i32>} : memref<13312xf32, #tpu.memory_space<vmem>>, vector<16xf32>,
      %get3A_197 = arith.constant 176 : index
      %get3A_198 = tpu.vector_load %arg7[%get3A_197] {strides = array<i32>} : memref<208xf32, #tpu.memory_space<vmem>>, vector<16xf32>,
      %mul3A_199 = arith.mulf %get3A_196, %get3A_198 : vector<16xf32>
      tpu.vector_store_idx %arg9[%get3A_190], %mul3A_199 {add = true} : memref<8000xf32, #tpu.memory_space<vmem>>[vector<16xi32>], vector<16xf32>,
      %get3A_200 = arith.constant 192 : index
      %get3A_201 = tpu.vector_load %arg6[%get3A_200] {strides = array<i32>} : memref<208xi32, #tpu.memory_space<vmem>>, vector<16xi32>,
      %mul3A_202 = arith.constant 208 : i32
      %mul3A_203 = arith.muli %add3A_40, %mul3A_202 : i32
      %add3A_204 = arith.constant 192 : i32
      %add3A_205 = arith.addi %mul3A_203, %add3A_204 : i32
      %get3A_206 = arith.index_cast %add3A_205 : i32 to index
      %get3A_207 = tpu.vector_load %arg8[%get3A_206] {strides = array<i32>} : memref<13312xf32, #tpu.memory_space<vmem>>, vector<16xf32>,
      %get3A_208 = arith.constant 192 : index
      %get3A_209 = tpu.vector_load %arg7[%get3A_208] {strides = array<i32>} : memref<208xf32, #tpu.memory_space<vmem>>, vector<16xf32>,
      %mul3A_210 = arith.mulf %get3A_207, %get3A_209 : vector<16xf32>
      tpu.vector_store_idx %arg9[%get3A_201], %mul3A_210 {add = true} : memref<8000xf32, #tpu.memory_space<vmem>>[vector<16xi32>], vector<16xf32>,
      %add3A_211 = arith.addi %mul3A_2, %add3A_40 : i32
      %mul3A_212 = arith.constant 8000 : i32
      %mul3A_213 = arith.muli %add3A_211, %mul3A_212 : i32
      %dma_start3A = tpu.memref_slice %arg5[%mul3A_213] : memref<16384000xf32, #tpu.memory_space<hbm>> -> memref<8000xf32, #tpu.memory_space<hbm>>
      %dma_start3A_214 = tpu.memref_slice %arg5[%mul3A_213] : memref<16384000xf32, #tpu.memory_space<hbm>> -> memref<8000xf32, #tpu.memory_space<hbm>>
      tpu.enqueue_dma source(%arg9 : memref<8000xf32, #tpu.memory_space<vmem>>) target(%dma_start3A_214 : memref<8000xf32, #tpu.memory_space<hbm>>) target_semaphore(%arg13 : memref<!tpu.dma_semaphore, #tpu.memory_space<semaphore_mem>>)
      %add3A_215 = arith.constant 1 : i32
      %add3A_216 = arith.addi %add3A_38, %add3A_215 : i32
      %ge3A_217 = arith.constant 4 : i32
      %ge3A_218 = arith.cmpi sge, %add3A_38, %ge3A_217 : i32
      %convert_element_type3A_219 = arith.extui %ge3A_218 : i1 to i32
      %cond3A_220 = arith.constant 0 : i32
      %cond3A_221 = arith.cmpi ne, %convert_element_type3A_219, %cond3A_220 : i32
      scf.if %cond3A_221 {
        %dma_wait3A_758 = arith.constant 0 : i32
        %dma_wait3A_759 = tpu.memref_slice %arg5[%dma_wait3A_758] : memref<16384000xf32, #tpu.memory_space<hbm>> -> memref<8000xf32, #tpu.memory_space<hbm>>
        %dma_wait3A_760 = arith.constant 0 : i32
        %dma_wait3A_761 = tpu.memref_slice %arg5[%dma_wait3A_760] : memref<16384000xf32, #tpu.memory_space<hbm>> -> memref<8000xf32, #tpu.memory_space<hbm>>
        tpu.wait_dma2 semaphore(%arg14 : memref<!tpu.dma_semaphore, #tpu.memory_space<semaphore_mem>>) src(%arg10 : memref<8000xf32, #tpu.memory_space<vmem>>) dst(%dma_wait3A_761 : memref<8000xf32, #tpu.memory_space<hbm>>)
      } else {
      }
      %get3A_222 = arith.constant 0 : index
      %get3A_223 = tpu.vector_load %arg6[%get3A_222] {strides = array<i32>} : memref<208xi32, #tpu.memory_space<vmem>>, vector<16xi32>,
      tpu.vector_store_idx %arg10[%get3A_223], %broadcast_in_dim3A_3 : memref<8000xf32, #tpu.memory_space<vmem>>[vector<16xi32>], vector<16xf32>,
      %get3A_224 = arith.constant 16 : index
      %get3A_225 = tpu.vector_load %arg6[%get3A_224] {strides = array<i32>} : memref<208xi32, #tpu.memory_space<vmem>>, vector<16xi32>,
      tpu.vector_store_idx %arg10[%get3A_225], %broadcast_in_dim3A_3 : memref<8000xf32, #tpu.memory_space<vmem>>[vector<16xi32>], vector<16xf32>,
      %get3A_226 = arith.constant 32 : index
      %get3A_227 = tpu.vector_load %arg6[%get3A_226] {strides = array<i32>} : memref<208xi32, #tpu.memory_space<vmem>>, vector<16xi32>,
      tpu.vector_store_idx %arg10[%get3A_227], %broadcast_in_dim3A_3 : memref<8000xf32, #tpu.memory_space<vmem>>[vector<16xi32>], vector<16xf32>,
      %get3A_228 = arith.constant 48 : index
      %get3A_229 = tpu.vector_load %arg6[%get3A_228] {strides = array<i32>} : memref<208xi32, #tpu.memory_space<vmem>>, vector<16xi32>,
      tpu.vector_store_idx %arg10[%get3A_229], %broadcast_in_dim3A_3 : memref<8000xf32, #tpu.memory_space<vmem>>[vector<16xi32>], vector<16xf32>,
      %get3A_230 = arith.constant 64 : index
      %get3A_231 = tpu.vector_load %arg6[%get3A_230] {strides = array<i32>} : memref<208xi32, #tpu.memory_space<vmem>>, vector<16xi32>,
      tpu.vector_store_idx %arg10[%get3A_231], %broadcast_in_dim3A_3 : memref<8000xf32, #tpu.memory_space<vmem>>[vector<16xi32>], vector<16xf32>,
      %get3A_232 = arith.constant 80 : index
      %get3A_233 = tpu.vector_load %arg6[%get3A_232] {strides = array<i32>} : memref<208xi32, #tpu.memory_space<vmem>>, vector<16xi32>,
      tpu.vector_store_idx %arg10[%get3A_233], %broadcast_in_dim3A_3 : memref<8000xf32, #tpu.memory_space<vmem>>[vector<16xi32>], vector<16xf32>,
      %get3A_234 = arith.constant 96 : index
      %get3A_235 = tpu.vector_load %arg6[%get3A_234] {strides = array<i32>} : memref<208xi32, #tpu.memory_space<vmem>>, vector<16xi32>,
      tpu.vector_store_idx %arg10[%get3A_235], %broadcast_in_dim3A_3 : memref<8000xf32, #tpu.memory_space<vmem>>[vector<16xi32>], vector<16xf32>,
      %get3A_236 = arith.constant 112 : index
      %get3A_237 = tpu.vector_load %arg6[%get3A_236] {strides = array<i32>} : memref<208xi32, #tpu.memory_space<vmem>>, vector<16xi32>,
      tpu.vector_store_idx %arg10[%get3A_237], %broadcast_in_dim3A_3 : memref<8000xf32, #tpu.memory_space<vmem>>[vector<16xi32>], vector<16xf32>,
      %get3A_238 = arith.constant 128 : index
      %get3A_239 = tpu.vector_load %arg6[%get3A_238] {strides = array<i32>} : memref<208xi32, #tpu.memory_space<vmem>>, vector<16xi32>,
      tpu.vector_store_idx %arg10[%get3A_239], %broadcast_in_dim3A_3 : memref<8000xf32, #tpu.memory_space<vmem>>[vector<16xi32>], vector<16xf32>,
      %get3A_240 = arith.constant 144 : index
      %get3A_241 = tpu.vector_load %arg6[%get3A_240] {strides = array<i32>} : memref<208xi32, #tpu.memory_space<vmem>>, vector<16xi32>,
      tpu.vector_store_idx %arg10[%get3A_241], %broadcast_in_dim3A_3 : memref<8000xf32, #tpu.memory_space<vmem>>[vector<16xi32>], vector<16xf32>,
      %get3A_242 = arith.constant 160 : index
      %get3A_243 = tpu.vector_load %arg6[%get3A_242] {strides = array<i32>} : memref<208xi32, #tpu.memory_space<vmem>>, vector<16xi32>,
      tpu.vector_store_idx %arg10[%get3A_243], %broadcast_in_dim3A_3 : memref<8000xf32, #tpu.memory_space<vmem>>[vector<16xi32>], vector<16xf32>,
      %get3A_244 = arith.constant 176 : index
      %get3A_245 = tpu.vector_load %arg6[%get3A_244] {strides = array<i32>} : memref<208xi32, #tpu.memory_space<vmem>>, vector<16xi32>,
      tpu.vector_store_idx %arg10[%get3A_245], %broadcast_in_dim3A_3 : memref<8000xf32, #tpu.memory_space<vmem>>[vector<16xi32>], vector<16xf32>,
      %get3A_246 = arith.constant 192 : index
      %get3A_247 = tpu.vector_load %arg6[%get3A_246] {strides = array<i32>} : memref<208xi32, #tpu.memory_space<vmem>>, vector<16xi32>,
      tpu.vector_store_idx %arg10[%get3A_247], %broadcast_in_dim3A_3 : memref<8000xf32, #tpu.memory_space<vmem>>[vector<16xi32>], vector<16xf32>,
      %get3A_248 = arith.constant 0 : index
      %get3A_249 = tpu.vector_load %arg6[%get3A_248] {strides = array<i32>} : memref<208xi32, #tpu.memory_space<vmem>>, vector<16xi32>,
      %mul3A_250 = arith.constant 208 : i32
      %mul3A_251 = arith.muli %add3A_216, %mul3A_250 : i32
      %add3A_252 = arith.constant 0 : i32
      %add3A_253 = arith.addi %mul3A_251, %add3A_252 : i32
      %get3A_254 = arith.index_cast %add3A_253 : i32 to index
      %get3A_255 = tpu.vector_load %arg8[%get3A_254] {strides = array<i32>} : memref<13312xf32, #tpu.memory_space<vmem>>, vector<16xf32>,
      %get3A_256 = arith.constant 0 : index
      %get3A_257 = tpu.vector_load %arg7[%get3A_256] {strides = array<i32>} : memref<208xf32, #tpu.memory_space<vmem>>, vector<16xf32>,
      %mul3A_258 = arith.mulf %get3A_255, %get3A_257 : vector<16xf32>
      tpu.vector_store_idx %arg10[%get3A_249], %mul3A_258 {add = true} : memref<8000xf32, #tpu.memory_space<vmem>>[vector<16xi32>], vector<16xf32>,
      %get3A_259 = arith.constant 16 : index
      %get3A_260 = tpu.vector_load %arg6[%get3A_259] {strides = array<i32>} : memref<208xi32, #tpu.memory_space<vmem>>, vector<16xi32>,
      %mul3A_261 = arith.constant 208 : i32
      %mul3A_262 = arith.muli %add3A_216, %mul3A_261 : i32
      %add3A_263 = arith.constant 16 : i32
      %add3A_264 = arith.addi %mul3A_262, %add3A_263 : i32
      %get3A_265 = arith.index_cast %add3A_264 : i32 to index
      %get3A_266 = tpu.vector_load %arg8[%get3A_265] {strides = array<i32>} : memref<13312xf32, #tpu.memory_space<vmem>>, vector<16xf32>,
      %get3A_267 = arith.constant 16 : index
      %get3A_268 = tpu.vector_load %arg7[%get3A_267] {strides = array<i32>} : memref<208xf32, #tpu.memory_space<vmem>>, vector<16xf32>,
      %mul3A_269 = arith.mulf %get3A_266, %get3A_268 : vector<16xf32>
      tpu.vector_store_idx %arg10[%get3A_260], %mul3A_269 {add = true} : memref<8000xf32, #tpu.memory_space<vmem>>[vector<16xi32>], vector<16xf32>,
      %get3A_270 = arith.constant 32 : index
      %get3A_271 = tpu.vector_load %arg6[%get3A_270] {strides = array<i32>} : memref<208xi32, #tpu.memory_space<vmem>>, vector<16xi32>,
      %mul3A_272 = arith.constant 208 : i32
      %mul3A_273 = arith.muli %add3A_216, %mul3A_272 : i32
      %add3A_274 = arith.constant 32 : i32
      %add3A_275 = arith.addi %mul3A_273, %add3A_274 : i32
      %get3A_276 = arith.index_cast %add3A_275 : i32 to index
      %get3A_277 = tpu.vector_load %arg8[%get3A_276] {strides = array<i32>} : memref<13312xf32, #tpu.memory_space<vmem>>, vector<16xf32>,
      %get3A_278 = arith.constant 32 : index
      %get3A_279 = tpu.vector_load %arg7[%get3A_278] {strides = array<i32>} : memref<208xf32, #tpu.memory_space<vmem>>, vector<16xf32>,
      %mul3A_280 = arith.mulf %get3A_277, %get3A_279 : vector<16xf32>
      tpu.vector_store_idx %arg10[%get3A_271], %mul3A_280 {add = true} : memref<8000xf32, #tpu.memory_space<vmem>>[vector<16xi32>], vector<16xf32>,
      %get3A_281 = arith.constant 48 : index
      %get3A_282 = tpu.vector_load %arg6[%get3A_281] {strides = array<i32>} : memref<208xi32, #tpu.memory_space<vmem>>, vector<16xi32>,
      %mul3A_283 = arith.constant 208 : i32
      %mul3A_284 = arith.muli %add3A_216, %mul3A_283 : i32
      %add3A_285 = arith.constant 48 : i32
      %add3A_286 = arith.addi %mul3A_284, %add3A_285 : i32
      %get3A_287 = arith.index_cast %add3A_286 : i32 to index
      %get3A_288 = tpu.vector_load %arg8[%get3A_287] {strides = array<i32>} : memref<13312xf32, #tpu.memory_space<vmem>>, vector<16xf32>,
      %get3A_289 = arith.constant 48 : index
      %get3A_290 = tpu.vector_load %arg7[%get3A_289] {strides = array<i32>} : memref<208xf32, #tpu.memory_space<vmem>>, vector<16xf32>,
      %mul3A_291 = arith.mulf %get3A_288, %get3A_290 : vector<16xf32>
      tpu.vector_store_idx %arg10[%get3A_282], %mul3A_291 {add = true} : memref<8000xf32, #tpu.memory_space<vmem>>[vector<16xi32>], vector<16xf32>,
      %get3A_292 = arith.constant 64 : index
      %get3A_293 = tpu.vector_load %arg6[%get3A_292] {strides = array<i32>} : memref<208xi32, #tpu.memory_space<vmem>>, vector<16xi32>,
      %mul3A_294 = arith.constant 208 : i32
      %mul3A_295 = arith.muli %add3A_216, %mul3A_294 : i32
      %add3A_296 = arith.constant 64 : i32
      %add3A_297 = arith.addi %mul3A_295, %add3A_296 : i32
      %get3A_298 = arith.index_cast %add3A_297 : i32 to index
      %get3A_299 = tpu.vector_load %arg8[%get3A_298] {strides = array<i32>} : memref<13312xf32, #tpu.memory_space<vmem>>, vector<16xf32>,
      %get3A_300 = arith.constant 64 : index
      %get3A_301 = tpu.vector_load %arg7[%get3A_300] {strides = array<i32>} : memref<208xf32, #tpu.memory_space<vmem>>, vector<16xf32>,
      %mul3A_302 = arith.mulf %get3A_299, %get3A_301 : vector<16xf32>
      tpu.vector_store_idx %arg10[%get3A_293], %mul3A_302 {add = true} : memref<8000xf32, #tpu.memory_space<vmem>>[vector<16xi32>], vector<16xf32>,
      %get3A_303 = arith.constant 80 : index
      %get3A_304 = tpu.vector_load %arg6[%get3A_303] {strides = array<i32>} : memref<208xi32, #tpu.memory_space<vmem>>, vector<16xi32>,
      %mul3A_305 = arith.constant 208 : i32
      %mul3A_306 = arith.muli %add3A_216, %mul3A_305 : i32
      %add3A_307 = arith.constant 80 : i32
      %add3A_308 = arith.addi %mul3A_306, %add3A_307 : i32
      %get3A_309 = arith.index_cast %add3A_308 : i32 to index
      %get3A_310 = tpu.vector_load %arg8[%get3A_309] {strides = array<i32>} : memref<13312xf32, #tpu.memory_space<vmem>>, vector<16xf32>,
      %get3A_311 = arith.constant 80 : index
      %get3A_312 = tpu.vector_load %arg7[%get3A_311] {strides = array<i32>} : memref<208xf32, #tpu.memory_space<vmem>>, vector<16xf32>,
      %mul3A_313 = arith.mulf %get3A_310, %get3A_312 : vector<16xf32>
      tpu.vector_store_idx %arg10[%get3A_304], %mul3A_313 {add = true} : memref<8000xf32, #tpu.memory_space<vmem>>[vector<16xi32>], vector<16xf32>,
      %get3A_314 = arith.constant 96 : index
      %get3A_315 = tpu.vector_load %arg6[%get3A_314] {strides = array<i32>} : memref<208xi32, #tpu.memory_space<vmem>>, vector<16xi32>,
      %mul3A_316 = arith.constant 208 : i32
      %mul3A_317 = arith.muli %add3A_216, %mul3A_316 : i32
      %add3A_318 = arith.constant 96 : i32
      %add3A_319 = arith.addi %mul3A_317, %add3A_318 : i32
      %get3A_320 = arith.index_cast %add3A_319 : i32 to index
      %get3A_321 = tpu.vector_load %arg8[%get3A_320] {strides = array<i32>} : memref<13312xf32, #tpu.memory_space<vmem>>, vector<16xf32>,
      %get3A_322 = arith.constant 96 : index
      %get3A_323 = tpu.vector_load %arg7[%get3A_322] {strides = array<i32>} : memref<208xf32, #tpu.memory_space<vmem>>, vector<16xf32>,
      %mul3A_324 = arith.mulf %get3A_321, %get3A_323 : vector<16xf32>
      tpu.vector_store_idx %arg10[%get3A_315], %mul3A_324 {add = true} : memref<8000xf32, #tpu.memory_space<vmem>>[vector<16xi32>], vector<16xf32>,
      %get3A_325 = arith.constant 112 : index
      %get3A_326 = tpu.vector_load %arg6[%get3A_325] {strides = array<i32>} : memref<208xi32, #tpu.memory_space<vmem>>, vector<16xi32>,
      %mul3A_327 = arith.constant 208 : i32
      %mul3A_328 = arith.muli %add3A_216, %mul3A_327 : i32
      %add3A_329 = arith.constant 112 : i32
      %add3A_330 = arith.addi %mul3A_328, %add3A_329 : i32
      %get3A_331 = arith.index_cast %add3A_330 : i32 to index
      %get3A_332 = tpu.vector_load %arg8[%get3A_331] {strides = array<i32>} : memref<13312xf32, #tpu.memory_space<vmem>>, vector<16xf32>,
      %get3A_333 = arith.constant 112 : index
      %get3A_334 = tpu.vector_load %arg7[%get3A_333] {strides = array<i32>} : memref<208xf32, #tpu.memory_space<vmem>>, vector<16xf32>,
      %mul3A_335 = arith.mulf %get3A_332, %get3A_334 : vector<16xf32>
      tpu.vector_store_idx %arg10[%get3A_326], %mul3A_335 {add = true} : memref<8000xf32, #tpu.memory_space<vmem>>[vector<16xi32>], vector<16xf32>,
      %get3A_336 = arith.constant 128 : index
      %get3A_337 = tpu.vector_load %arg6[%get3A_336] {strides = array<i32>} : memref<208xi32, #tpu.memory_space<vmem>>, vector<16xi32>,
      %mul3A_338 = arith.constant 208 : i32
      %mul3A_339 = arith.muli %add3A_216, %mul3A_338 : i32
      %add3A_340 = arith.constant 128 : i32
      %add3A_341 = arith.addi %mul3A_339, %add3A_340 : i32
      %get3A_342 = arith.index_cast %add3A_341 : i32 to index
      %get3A_343 = tpu.vector_load %arg8[%get3A_342] {strides = array<i32>} : memref<13312xf32, #tpu.memory_space<vmem>>, vector<16xf32>,
      %get3A_344 = arith.constant 128 : index
      %get3A_345 = tpu.vector_load %arg7[%get3A_344] {strides = array<i32>} : memref<208xf32, #tpu.memory_space<vmem>>, vector<16xf32>,
      %mul3A_346 = arith.mulf %get3A_343, %get3A_345 : vector<16xf32>
      tpu.vector_store_idx %arg10[%get3A_337], %mul3A_346 {add = true} : memref<8000xf32, #tpu.memory_space<vmem>>[vector<16xi32>], vector<16xf32>,
      %get3A_347 = arith.constant 144 : index
      %get3A_348 = tpu.vector_load %arg6[%get3A_347] {strides = array<i32>} : memref<208xi32, #tpu.memory_space<vmem>>, vector<16xi32>,
      %mul3A_349 = arith.constant 208 : i32
      %mul3A_350 = arith.muli %add3A_216, %mul3A_349 : i32
      %add3A_351 = arith.constant 144 : i32
      %add3A_352 = arith.addi %mul3A_350, %add3A_351 : i32
      %get3A_353 = arith.index_cast %add3A_352 : i32 to index
      %get3A_354 = tpu.vector_load %arg8[%get3A_353] {strides = array<i32>} : memref<13312xf32, #tpu.memory_space<vmem>>, vector<16xf32>,
      %get3A_355 = arith.constant 144 : index
      %get3A_356 = tpu.vector_load %arg7[%get3A_355] {strides = array<i32>} : memref<208xf32, #tpu.memory_space<vmem>>, vector<16xf32>,
      %mul3A_357 = arith.mulf %get3A_354, %get3A_356 : vector<16xf32>
      tpu.vector_store_idx %arg10[%get3A_348], %mul3A_357 {add = true} : memref<8000xf32, #tpu.memory_space<vmem>>[vector<16xi32>], vector<16xf32>,
      %get3A_358 = arith.constant 160 : index
      %get3A_359 = tpu.vector_load %arg6[%get3A_358] {strides = array<i32>} : memref<208xi32, #tpu.memory_space<vmem>>, vector<16xi32>,
      %mul3A_360 = arith.constant 208 : i32
      %mul3A_361 = arith.muli %add3A_216, %mul3A_360 : i32
      %add3A_362 = arith.constant 160 : i32
      %add3A_363 = arith.addi %mul3A_361, %add3A_362 : i32
      %get3A_364 = arith.index_cast %add3A_363 : i32 to index
      %get3A_365 = tpu.vector_load %arg8[%get3A_364] {strides = array<i32>} : memref<13312xf32, #tpu.memory_space<vmem>>, vector<16xf32>,
      %get3A_366 = arith.constant 160 : index
      %get3A_367 = tpu.vector_load %arg7[%get3A_366] {strides = array<i32>} : memref<208xf32, #tpu.memory_space<vmem>>, vector<16xf32>,
      %mul3A_368 = arith.mulf %get3A_365, %get3A_367 : vector<16xf32>
      tpu.vector_store_idx %arg10[%get3A_359], %mul3A_368 {add = true} : memref<8000xf32, #tpu.memory_space<vmem>>[vector<16xi32>], vector<16xf32>,
      %get3A_369 = arith.constant 176 : index
      %get3A_370 = tpu.vector_load %arg6[%get3A_369] {strides = array<i32>} : memref<208xi32, #tpu.memory_space<vmem>>, vector<16xi32>,
      %mul3A_371 = arith.constant 208 : i32
      %mul3A_372 = arith.muli %add3A_216, %mul3A_371 : i32
      %add3A_373 = arith.constant 176 : i32
      %add3A_374 = arith.addi %mul3A_372, %add3A_373 : i32
      %get3A_375 = arith.index_cast %add3A_374 : i32 to index
      %get3A_376 = tpu.vector_load %arg8[%get3A_375] {strides = array<i32>} : memref<13312xf32, #tpu.memory_space<vmem>>, vector<16xf32>,
      %get3A_377 = arith.constant 176 : index
      %get3A_378 = tpu.vector_load %arg7[%get3A_377] {strides = array<i32>} : memref<208xf32, #tpu.memory_space<vmem>>, vector<16xf32>,
      %mul3A_379 = arith.mulf %get3A_376, %get3A_378 : vector<16xf32>
      tpu.vector_store_idx %arg10[%get3A_370], %mul3A_379 {add = true} : memref<8000xf32, #tpu.memory_space<vmem>>[vector<16xi32>], vector<16xf32>,
      %get3A_380 = arith.constant 192 : index
      %get3A_381 = tpu.vector_load %arg6[%get3A_380] {strides = array<i32>} : memref<208xi32, #tpu.memory_space<vmem>>, vector<16xi32>,
      %mul3A_382 = arith.constant 208 : i32
      %mul3A_383 = arith.muli %add3A_216, %mul3A_382 : i32
      %add3A_384 = arith.constant 192 : i32
      %add3A_385 = arith.addi %mul3A_383, %add3A_384 : i32
      %get3A_386 = arith.index_cast %add3A_385 : i32 to index
      %get3A_387 = tpu.vector_load %arg8[%get3A_386] {strides = array<i32>} : memref<13312xf32, #tpu.memory_space<vmem>>, vector<16xf32>,
      %get3A_388 = arith.constant 192 : index
      %get3A_389 = tpu.vector_load %arg7[%get3A_388] {strides = array<i32>} : memref<208xf32, #tpu.memory_space<vmem>>, vector<16xf32>,
      %mul3A_390 = arith.mulf %get3A_387, %get3A_389 : vector<16xf32>
      tpu.vector_store_idx %arg10[%get3A_381], %mul3A_390 {add = true} : memref<8000xf32, #tpu.memory_space<vmem>>[vector<16xi32>], vector<16xf32>,
      %add3A_391 = arith.addi %mul3A_2, %add3A_216 : i32
      %mul3A_392 = arith.constant 8000 : i32
      %mul3A_393 = arith.muli %add3A_391, %mul3A_392 : i32
      %dma_start3A_394 = tpu.memref_slice %arg5[%mul3A_393] : memref<16384000xf32, #tpu.memory_space<hbm>> -> memref<8000xf32, #tpu.memory_space<hbm>>
      %dma_start3A_395 = tpu.memref_slice %arg5[%mul3A_393] : memref<16384000xf32, #tpu.memory_space<hbm>> -> memref<8000xf32, #tpu.memory_space<hbm>>
      tpu.enqueue_dma source(%arg10 : memref<8000xf32, #tpu.memory_space<vmem>>) target(%dma_start3A_395 : memref<8000xf32, #tpu.memory_space<hbm>>) target_semaphore(%arg14 : memref<!tpu.dma_semaphore, #tpu.memory_space<semaphore_mem>>)
      %add3A_396 = arith.constant 2 : i32
      %add3A_397 = arith.addi %add3A_38, %add3A_396 : i32
      %ge3A_398 = arith.constant 4 : i32
      %ge3A_399 = arith.cmpi sge, %add3A_38, %ge3A_398 : i32
      %convert_element_type3A_400 = arith.extui %ge3A_399 : i1 to i32
      %cond3A_401 = arith.constant 0 : i32
      %cond3A_402 = arith.cmpi ne, %convert_element_type3A_400, %cond3A_401 : i32
      scf.if %cond3A_402 {
        %dma_wait3A_758 = arith.constant 0 : i32
        %dma_wait3A_759 = tpu.memref_slice %arg5[%dma_wait3A_758] : memref<16384000xf32, #tpu.memory_space<hbm>> -> memref<8000xf32, #tpu.memory_space<hbm>>
        %dma_wait3A_760 = arith.constant 0 : i32
        %dma_wait3A_761 = tpu.memref_slice %arg5[%dma_wait3A_760] : memref<16384000xf32, #tpu.memory_space<hbm>> -> memref<8000xf32, #tpu.memory_space<hbm>>
        tpu.wait_dma2 semaphore(%arg15 : memref<!tpu.dma_semaphore, #tpu.memory_space<semaphore_mem>>) src(%arg11 : memref<8000xf32, #tpu.memory_space<vmem>>) dst(%dma_wait3A_761 : memref<8000xf32, #tpu.memory_space<hbm>>)
      } else {
      }
      %get3A_403 = arith.constant 0 : index
      %get3A_404 = tpu.vector_load %arg6[%get3A_403] {strides = array<i32>} : memref<208xi32, #tpu.memory_space<vmem>>, vector<16xi32>,
      tpu.vector_store_idx %arg11[%get3A_404], %broadcast_in_dim3A_3 : memref<8000xf32, #tpu.memory_space<vmem>>[vector<16xi32>], vector<16xf32>,
      %get3A_405 = arith.constant 16 : index
      %get3A_406 = tpu.vector_load %arg6[%get3A_405] {strides = array<i32>} : memref<208xi32, #tpu.memory_space<vmem>>, vector<16xi32>,
      tpu.vector_store_idx %arg11[%get3A_406], %broadcast_in_dim3A_3 : memref<8000xf32, #tpu.memory_space<vmem>>[vector<16xi32>], vector<16xf32>,
      %get3A_407 = arith.constant 32 : index
      %get3A_408 = tpu.vector_load %arg6[%get3A_407] {strides = array<i32>} : memref<208xi32, #tpu.memory_space<vmem>>, vector<16xi32>,
      tpu.vector_store_idx %arg11[%get3A_408], %broadcast_in_dim3A_3 : memref<8000xf32, #tpu.memory_space<vmem>>[vector<16xi32>], vector<16xf32>,
      %get3A_409 = arith.constant 48 : index
      %get3A_410 = tpu.vector_load %arg6[%get3A_409] {strides = array<i32>} : memref<208xi32, #tpu.memory_space<vmem>>, vector<16xi32>,
      tpu.vector_store_idx %arg11[%get3A_410], %broadcast_in_dim3A_3 : memref<8000xf32, #tpu.memory_space<vmem>>[vector<16xi32>], vector<16xf32>,
      %get3A_411 = arith.constant 64 : index
      %get3A_412 = tpu.vector_load %arg6[%get3A_411] {strides = array<i32>} : memref<208xi32, #tpu.memory_space<vmem>>, vector<16xi32>,
      tpu.vector_store_idx %arg11[%get3A_412], %broadcast_in_dim3A_3 : memref<8000xf32, #tpu.memory_space<vmem>>[vector<16xi32>], vector<16xf32>,
      %get3A_413 = arith.constant 80 : index
      %get3A_414 = tpu.vector_load %arg6[%get3A_413] {strides = array<i32>} : memref<208xi32, #tpu.memory_space<vmem>>, vector<16xi32>,
      tpu.vector_store_idx %arg11[%get3A_414], %broadcast_in_dim3A_3 : memref<8000xf32, #tpu.memory_space<vmem>>[vector<16xi32>], vector<16xf32>,
      %get3A_415 = arith.constant 96 : index
      %get3A_416 = tpu.vector_load %arg6[%get3A_415] {strides = array<i32>} : memref<208xi32, #tpu.memory_space<vmem>>, vector<16xi32>,
      tpu.vector_store_idx %arg11[%get3A_416], %broadcast_in_dim3A_3 : memref<8000xf32, #tpu.memory_space<vmem>>[vector<16xi32>], vector<16xf32>,
      %get3A_417 = arith.constant 112 : index
      %get3A_418 = tpu.vector_load %arg6[%get3A_417] {strides = array<i32>} : memref<208xi32, #tpu.memory_space<vmem>>, vector<16xi32>,
      tpu.vector_store_idx %arg11[%get3A_418], %broadcast_in_dim3A_3 : memref<8000xf32, #tpu.memory_space<vmem>>[vector<16xi32>], vector<16xf32>,
      %get3A_419 = arith.constant 128 : index
      %get3A_420 = tpu.vector_load %arg6[%get3A_419] {strides = array<i32>} : memref<208xi32, #tpu.memory_space<vmem>>, vector<16xi32>,
      tpu.vector_store_idx %arg11[%get3A_420], %broadcast_in_dim3A_3 : memref<8000xf32, #tpu.memory_space<vmem>>[vector<16xi32>], vector<16xf32>,
      %get3A_421 = arith.constant 144 : index
      %get3A_422 = tpu.vector_load %arg6[%get3A_421] {strides = array<i32>} : memref<208xi32, #tpu.memory_space<vmem>>, vector<16xi32>,
      tpu.vector_store_idx %arg11[%get3A_422], %broadcast_in_dim3A_3 : memref<8000xf32, #tpu.memory_space<vmem>>[vector<16xi32>], vector<16xf32>,
      %get3A_423 = arith.constant 160 : index
      %get3A_424 = tpu.vector_load %arg6[%get3A_423] {strides = array<i32>} : memref<208xi32, #tpu.memory_space<vmem>>, vector<16xi32>,
      tpu.vector_store_idx %arg11[%get3A_424], %broadcast_in_dim3A_3 : memref<8000xf32, #tpu.memory_space<vmem>>[vector<16xi32>], vector<16xf32>,
      %get3A_425 = arith.constant 176 : index
      %get3A_426 = tpu.vector_load %arg6[%get3A_425] {strides = array<i32>} : memref<208xi32, #tpu.memory_space<vmem>>, vector<16xi32>,
      tpu.vector_store_idx %arg11[%get3A_426], %broadcast_in_dim3A_3 : memref<8000xf32, #tpu.memory_space<vmem>>[vector<16xi32>], vector<16xf32>,
      %get3A_427 = arith.constant 192 : index
      %get3A_428 = tpu.vector_load %arg6[%get3A_427] {strides = array<i32>} : memref<208xi32, #tpu.memory_space<vmem>>, vector<16xi32>,
      tpu.vector_store_idx %arg11[%get3A_428], %broadcast_in_dim3A_3 : memref<8000xf32, #tpu.memory_space<vmem>>[vector<16xi32>], vector<16xf32>,
      %get3A_429 = arith.constant 0 : index
      %get3A_430 = tpu.vector_load %arg6[%get3A_429] {strides = array<i32>} : memref<208xi32, #tpu.memory_space<vmem>>, vector<16xi32>,
      %mul3A_431 = arith.constant 208 : i32
      %mul3A_432 = arith.muli %add3A_397, %mul3A_431 : i32
      %add3A_433 = arith.constant 0 : i32
      %add3A_434 = arith.addi %mul3A_432, %add3A_433 : i32
      %get3A_435 = arith.index_cast %add3A_434 : i32 to index
      %get3A_436 = tpu.vector_load %arg8[%get3A_435] {strides = array<i32>} : memref<13312xf32, #tpu.memory_space<vmem>>, vector<16xf32>,
      %get3A_437 = arith.constant 0 : index
      %get3A_438 = tpu.vector_load %arg7[%get3A_437] {strides = array<i32>} : memref<208xf32, #tpu.memory_space<vmem>>, vector<16xf32>,
      %mul3A_439 = arith.mulf %get3A_436, %get3A_438 : vector<16xf32>
      tpu.vector_store_idx %arg11[%get3A_430], %mul3A_439 {add = true} : memref<8000xf32, #tpu.memory_space<vmem>>[vector<16xi32>], vector<16xf32>,
      %get3A_440 = arith.constant 16 : index
      %get3A_441 = tpu.vector_load %arg6[%get3A_440] {strides = array<i32>} : memref<208xi32, #tpu.memory_space<vmem>>, vector<16xi32>,
      %mul3A_442 = arith.constant 208 : i32
      %mul3A_443 = arith.muli %add3A_397, %mul3A_442 : i32
      %add3A_444 = arith.constant 16 : i32
      %add3A_445 = arith.addi %mul3A_443, %add3A_444 : i32
      %get3A_446 = arith.index_cast %add3A_445 : i32 to index
      %get3A_447 = tpu.vector_load %arg8[%get3A_446] {strides = array<i32>} : memref<13312xf32, #tpu.memory_space<vmem>>, vector<16xf32>,
      %get3A_448 = arith.constant 16 : index
      %get3A_449 = tpu.vector_load %arg7[%get3A_448] {strides = array<i32>} : memref<208xf32, #tpu.memory_space<vmem>>, vector<16xf32>,
      %mul3A_450 = arith.mulf %get3A_447, %get3A_449 : vector<16xf32>
      tpu.vector_store_idx %arg11[%get3A_441], %mul3A_450 {add = true} : memref<8000xf32, #tpu.memory_space<vmem>>[vector<16xi32>], vector<16xf32>,
      %get3A_451 = arith.constant 32 : index
      %get3A_452 = tpu.vector_load %arg6[%get3A_451] {strides = array<i32>} : memref<208xi32, #tpu.memory_space<vmem>>, vector<16xi32>,
      %mul3A_453 = arith.constant 208 : i32
      %mul3A_454 = arith.muli %add3A_397, %mul3A_453 : i32
      %add3A_455 = arith.constant 32 : i32
      %add3A_456 = arith.addi %mul3A_454, %add3A_455 : i32
      %get3A_457 = arith.index_cast %add3A_456 : i32 to index
      %get3A_458 = tpu.vector_load %arg8[%get3A_457] {strides = array<i32>} : memref<13312xf32, #tpu.memory_space<vmem>>, vector<16xf32>,
      %get3A_459 = arith.constant 32 : index
      %get3A_460 = tpu.vector_load %arg7[%get3A_459] {strides = array<i32>} : memref<208xf32, #tpu.memory_space<vmem>>, vector<16xf32>,
      %mul3A_461 = arith.mulf %get3A_458, %get3A_460 : vector<16xf32>
      tpu.vector_store_idx %arg11[%get3A_452], %mul3A_461 {add = true} : memref<8000xf32, #tpu.memory_space<vmem>>[vector<16xi32>], vector<16xf32>,
      %get3A_462 = arith.constant 48 : index
      %get3A_463 = tpu.vector_load %arg6[%get3A_462] {strides = array<i32>} : memref<208xi32, #tpu.memory_space<vmem>>, vector<16xi32>,
      %mul3A_464 = arith.constant 208 : i32
      %mul3A_465 = arith.muli %add3A_397, %mul3A_464 : i32
      %add3A_466 = arith.constant 48 : i32
      %add3A_467 = arith.addi %mul3A_465, %add3A_466 : i32
      %get3A_468 = arith.index_cast %add3A_467 : i32 to index
      %get3A_469 = tpu.vector_load %arg8[%get3A_468] {strides = array<i32>} : memref<13312xf32, #tpu.memory_space<vmem>>, vector<16xf32>,
      %get3A_470 = arith.constant 48 : index
      %get3A_471 = tpu.vector_load %arg7[%get3A_470] {strides = array<i32>} : memref<208xf32, #tpu.memory_space<vmem>>, vector<16xf32>,
      %mul3A_472 = arith.mulf %get3A_469, %get3A_471 : vector<16xf32>
      tpu.vector_store_idx %arg11[%get3A_463], %mul3A_472 {add = true} : memref<8000xf32, #tpu.memory_space<vmem>>[vector<16xi32>], vector<16xf32>,
      %get3A_473 = arith.constant 64 : index
      %get3A_474 = tpu.vector_load %arg6[%get3A_473] {strides = array<i32>} : memref<208xi32, #tpu.memory_space<vmem>>, vector<16xi32>,
      %mul3A_475 = arith.constant 208 : i32
      %mul3A_476 = arith.muli %add3A_397, %mul3A_475 : i32
      %add3A_477 = arith.constant 64 : i32
      %add3A_478 = arith.addi %mul3A_476, %add3A_477 : i32
      %get3A_479 = arith.index_cast %add3A_478 : i32 to index
      %get3A_480 = tpu.vector_load %arg8[%get3A_479] {strides = array<i32>} : memref<13312xf32, #tpu.memory_space<vmem>>, vector<16xf32>,
      %get3A_481 = arith.constant 64 : index
      %get3A_482 = tpu.vector_load %arg7[%get3A_481] {strides = array<i32>} : memref<208xf32, #tpu.memory_space<vmem>>, vector<16xf32>,
      %mul3A_483 = arith.mulf %get3A_480, %get3A_482 : vector<16xf32>
      tpu.vector_store_idx %arg11[%get3A_474], %mul3A_483 {add = true} : memref<8000xf32, #tpu.memory_space<vmem>>[vector<16xi32>], vector<16xf32>,
      %get3A_484 = arith.constant 80 : index
      %get3A_485 = tpu.vector_load %arg6[%get3A_484] {strides = array<i32>} : memref<208xi32, #tpu.memory_space<vmem>>, vector<16xi32>,
      %mul3A_486 = arith.constant 208 : i32
      %mul3A_487 = arith.muli %add3A_397, %mul3A_486 : i32
      %add3A_488 = arith.constant 80 : i32
      %add3A_489 = arith.addi %mul3A_487, %add3A_488 : i32
      %get3A_490 = arith.index_cast %add3A_489 : i32 to index
      %get3A_491 = tpu.vector_load %arg8[%get3A_490] {strides = array<i32>} : memref<13312xf32, #tpu.memory_space<vmem>>, vector<16xf32>,
      %get3A_492 = arith.constant 80 : index
      %get3A_493 = tpu.vector_load %arg7[%get3A_492] {strides = array<i32>} : memref<208xf32, #tpu.memory_space<vmem>>, vector<16xf32>,
      %mul3A_494 = arith.mulf %get3A_491, %get3A_493 : vector<16xf32>
      tpu.vector_store_idx %arg11[%get3A_485], %mul3A_494 {add = true} : memref<8000xf32, #tpu.memory_space<vmem>>[vector<16xi32>], vector<16xf32>,
      %get3A_495 = arith.constant 96 : index
      %get3A_496 = tpu.vector_load %arg6[%get3A_495] {strides = array<i32>} : memref<208xi32, #tpu.memory_space<vmem>>, vector<16xi32>,
      %mul3A_497 = arith.constant 208 : i32
      %mul3A_498 = arith.muli %add3A_397, %mul3A_497 : i32
      %add3A_499 = arith.constant 96 : i32
      %add3A_500 = arith.addi %mul3A_498, %add3A_499 : i32
      %get3A_501 = arith.index_cast %add3A_500 : i32 to index
      %get3A_502 = tpu.vector_load %arg8[%get3A_501] {strides = array<i32>} : memref<13312xf32, #tpu.memory_space<vmem>>, vector<16xf32>,
      %get3A_503 = arith.constant 96 : index
      %get3A_504 = tpu.vector_load %arg7[%get3A_503] {strides = array<i32>} : memref<208xf32, #tpu.memory_space<vmem>>, vector<16xf32>,
      %mul3A_505 = arith.mulf %get3A_502, %get3A_504 : vector<16xf32>
      tpu.vector_store_idx %arg11[%get3A_496], %mul3A_505 {add = true} : memref<8000xf32, #tpu.memory_space<vmem>>[vector<16xi32>], vector<16xf32>,
      %get3A_506 = arith.constant 112 : index
      %get3A_507 = tpu.vector_load %arg6[%get3A_506] {strides = array<i32>} : memref<208xi32, #tpu.memory_space<vmem>>, vector<16xi32>,
      %mul3A_508 = arith.constant 208 : i32
      %mul3A_509 = arith.muli %add3A_397, %mul3A_508 : i32
      %add3A_510 = arith.constant 112 : i32
      %add3A_511 = arith.addi %mul3A_509, %add3A_510 : i32
      %get3A_512 = arith.index_cast %add3A_511 : i32 to index
      %get3A_513 = tpu.vector_load %arg8[%get3A_512] {strides = array<i32>} : memref<13312xf32, #tpu.memory_space<vmem>>, vector<16xf32>,
      %get3A_514 = arith.constant 112 : index
      %get3A_515 = tpu.vector_load %arg7[%get3A_514] {strides = array<i32>} : memref<208xf32, #tpu.memory_space<vmem>>, vector<16xf32>,
      %mul3A_516 = arith.mulf %get3A_513, %get3A_515 : vector<16xf32>
      tpu.vector_store_idx %arg11[%get3A_507], %mul3A_516 {add = true} : memref<8000xf32, #tpu.memory_space<vmem>>[vector<16xi32>], vector<16xf32>,
      %get3A_517 = arith.constant 128 : index
      %get3A_518 = tpu.vector_load %arg6[%get3A_517] {strides = array<i32>} : memref<208xi32, #tpu.memory_space<vmem>>, vector<16xi32>,
      %mul3A_519 = arith.constant 208 : i32
      %mul3A_520 = arith.muli %add3A_397, %mul3A_519 : i32
      %add3A_521 = arith.constant 128 : i32
      %add3A_522 = arith.addi %mul3A_520, %add3A_521 : i32
      %get3A_523 = arith.index_cast %add3A_522 : i32 to index
      %get3A_524 = tpu.vector_load %arg8[%get3A_523] {strides = array<i32>} : memref<13312xf32, #tpu.memory_space<vmem>>, vector<16xf32>,
      %get3A_525 = arith.constant 128 : index
      %get3A_526 = tpu.vector_load %arg7[%get3A_525] {strides = array<i32>} : memref<208xf32, #tpu.memory_space<vmem>>, vector<16xf32>,
      %mul3A_527 = arith.mulf %get3A_524, %get3A_526 : vector<16xf32>
      tpu.vector_store_idx %arg11[%get3A_518], %mul3A_527 {add = true} : memref<8000xf32, #tpu.memory_space<vmem>>[vector<16xi32>], vector<16xf32>,
      %get3A_528 = arith.constant 144 : index
      %get3A_529 = tpu.vector_load %arg6[%get3A_528] {strides = array<i32>} : memref<208xi32, #tpu.memory_space<vmem>>, vector<16xi32>,
      %mul3A_530 = arith.constant 208 : i32
      %mul3A_531 = arith.muli %add3A_397, %mul3A_530 : i32
      %add3A_532 = arith.constant 144 : i32
      %add3A_533 = arith.addi %mul3A_531, %add3A_532 : i32
      %get3A_534 = arith.index_cast %add3A_533 : i32 to index
      %get3A_535 = tpu.vector_load %arg8[%get3A_534] {strides = array<i32>} : memref<13312xf32, #tpu.memory_space<vmem>>, vector<16xf32>,
      %get3A_536 = arith.constant 144 : index
      %get3A_537 = tpu.vector_load %arg7[%get3A_536] {strides = array<i32>} : memref<208xf32, #tpu.memory_space<vmem>>, vector<16xf32>,
      %mul3A_538 = arith.mulf %get3A_535, %get3A_537 : vector<16xf32>
      tpu.vector_store_idx %arg11[%get3A_529], %mul3A_538 {add = true} : memref<8000xf32, #tpu.memory_space<vmem>>[vector<16xi32>], vector<16xf32>,
      %get3A_539 = arith.constant 160 : index
      %get3A_540 = tpu.vector_load %arg6[%get3A_539] {strides = array<i32>} : memref<208xi32, #tpu.memory_space<vmem>>, vector<16xi32>,
      %mul3A_541 = arith.constant 208 : i32
      %mul3A_542 = arith.muli %add3A_397, %mul3A_541 : i32
      %add3A_543 = arith.constant 160 : i32
      %add3A_544 = arith.addi %mul3A_542, %add3A_543 : i32
      %get3A_545 = arith.index_cast %add3A_544 : i32 to index
      %get3A_546 = tpu.vector_load %arg8[%get3A_545] {strides = array<i32>} : memref<13312xf32, #tpu.memory_space<vmem>>, vector<16xf32>,
      %get3A_547 = arith.constant 160 : index
      %get3A_548 = tpu.vector_load %arg7[%get3A_547] {strides = array<i32>} : memref<208xf32, #tpu.memory_space<vmem>>, vector<16xf32>,
      %mul3A_549 = arith.mulf %get3A_546, %get3A_548 : vector<16xf32>
      tpu.vector_store_idx %arg11[%get3A_540], %mul3A_549 {add = true} : memref<8000xf32, #tpu.memory_space<vmem>>[vector<16xi32>], vector<16xf32>,
      %get3A_550 = arith.constant 176 : index
      %get3A_551 = tpu.vector_load %arg6[%get3A_550] {strides = array<i32>} : memref<208xi32, #tpu.memory_space<vmem>>, vector<16xi32>,
      %mul3A_552 = arith.constant 208 : i32
      %mul3A_553 = arith.muli %add3A_397, %mul3A_552 : i32
      %add3A_554 = arith.constant 176 : i32
      %add3A_555 = arith.addi %mul3A_553, %add3A_554 : i32
      %get3A_556 = arith.index_cast %add3A_555 : i32 to index
      %get3A_557 = tpu.vector_load %arg8[%get3A_556] {strides = array<i32>} : memref<13312xf32, #tpu.memory_space<vmem>>, vector<16xf32>,
      %get3A_558 = arith.constant 176 : index
      %get3A_559 = tpu.vector_load %arg7[%get3A_558] {strides = array<i32>} : memref<208xf32, #tpu.memory_space<vmem>>, vector<16xf32>,
      %mul3A_560 = arith.mulf %get3A_557, %get3A_559 : vector<16xf32>
      tpu.vector_store_idx %arg11[%get3A_551], %mul3A_560 {add = true} : memref<8000xf32, #tpu.memory_space<vmem>>[vector<16xi32>], vector<16xf32>,
      %get3A_561 = arith.constant 192 : index
      %get3A_562 = tpu.vector_load %arg6[%get3A_561] {strides = array<i32>} : memref<208xi32, #tpu.memory_space<vmem>>, vector<16xi32>,
      %mul3A_563 = arith.constant 208 : i32
      %mul3A_564 = arith.muli %add3A_397, %mul3A_563 : i32
      %add3A_565 = arith.constant 192 : i32
      %add3A_566 = arith.addi %mul3A_564, %add3A_565 : i32
      %get3A_567 = arith.index_cast %add3A_566 : i32 to index
      %get3A_568 = tpu.vector_load %arg8[%get3A_567] {strides = array<i32>} : memref<13312xf32, #tpu.memory_space<vmem>>, vector<16xf32>,
      %get3A_569 = arith.constant 192 : index
      %get3A_570 = tpu.vector_load %arg7[%get3A_569] {strides = array<i32>} : memref<208xf32, #tpu.memory_space<vmem>>, vector<16xf32>,
      %mul3A_571 = arith.mulf %get3A_568, %get3A_570 : vector<16xf32>
      tpu.vector_store_idx %arg11[%get3A_562], %mul3A_571 {add = true} : memref<8000xf32, #tpu.memory_space<vmem>>[vector<16xi32>], vector<16xf32>,
      %add3A_572 = arith.addi %mul3A_2, %add3A_397 : i32
      %mul3A_573 = arith.constant 8000 : i32
      %mul3A_574 = arith.muli %add3A_572, %mul3A_573 : i32
      %dma_start3A_575 = tpu.memref_slice %arg5[%mul3A_574] : memref<16384000xf32, #tpu.memory_space<hbm>> -> memref<8000xf32, #tpu.memory_space<hbm>>
      %dma_start3A_576 = tpu.memref_slice %arg5[%mul3A_574] : memref<16384000xf32, #tpu.memory_space<hbm>> -> memref<8000xf32, #tpu.memory_space<hbm>>
      tpu.enqueue_dma source(%arg11 : memref<8000xf32, #tpu.memory_space<vmem>>) target(%dma_start3A_576 : memref<8000xf32, #tpu.memory_space<hbm>>) target_semaphore(%arg15 : memref<!tpu.dma_semaphore, #tpu.memory_space<semaphore_mem>>)
      %add3A_577 = arith.constant 3 : i32
      %add3A_578 = arith.addi %add3A_38, %add3A_577 : i32
      %ge3A_579 = arith.constant 4 : i32
      %ge3A_580 = arith.cmpi sge, %add3A_38, %ge3A_579 : i32
      %convert_element_type3A_581 = arith.extui %ge3A_580 : i1 to i32
      %cond3A_582 = arith.constant 0 : i32
      %cond3A_583 = arith.cmpi ne, %convert_element_type3A_581, %cond3A_582 : i32
      scf.if %cond3A_583 {
        %dma_wait3A_758 = arith.constant 0 : i32
        %dma_wait3A_759 = tpu.memref_slice %arg5[%dma_wait3A_758] : memref<16384000xf32, #tpu.memory_space<hbm>> -> memref<8000xf32, #tpu.memory_space<hbm>>
        %dma_wait3A_760 = arith.constant 0 : i32
        %dma_wait3A_761 = tpu.memref_slice %arg5[%dma_wait3A_760] : memref<16384000xf32, #tpu.memory_space<hbm>> -> memref<8000xf32, #tpu.memory_space<hbm>>
        tpu.wait_dma2 semaphore(%arg16 : memref<!tpu.dma_semaphore, #tpu.memory_space<semaphore_mem>>) src(%arg12 : memref<8000xf32, #tpu.memory_space<vmem>>) dst(%dma_wait3A_761 : memref<8000xf32, #tpu.memory_space<hbm>>)
      } else {
      }
      %get3A_584 = arith.constant 0 : index
      %get3A_585 = tpu.vector_load %arg6[%get3A_584] {strides = array<i32>} : memref<208xi32, #tpu.memory_space<vmem>>, vector<16xi32>,
      tpu.vector_store_idx %arg12[%get3A_585], %broadcast_in_dim3A_3 : memref<8000xf32, #tpu.memory_space<vmem>>[vector<16xi32>], vector<16xf32>,
      %get3A_586 = arith.constant 16 : index
      %get3A_587 = tpu.vector_load %arg6[%get3A_586] {strides = array<i32>} : memref<208xi32, #tpu.memory_space<vmem>>, vector<16xi32>,
      tpu.vector_store_idx %arg12[%get3A_587], %broadcast_in_dim3A_3 : memref<8000xf32, #tpu.memory_space<vmem>>[vector<16xi32>], vector<16xf32>,
      %get3A_588 = arith.constant 32 : index
      %get3A_589 = tpu.vector_load %arg6[%get3A_588] {strides = array<i32>} : memref<208xi32, #tpu.memory_space<vmem>>, vector<16xi32>,
      tpu.vector_store_idx %arg12[%get3A_589], %broadcast_in_dim3A_3 : memref<8000xf32, #tpu.memory_space<vmem>>[vector<16xi32>], vector<16xf32>,
      %get3A_590 = arith.constant 48 : index
      %get3A_591 = tpu.vector_load %arg6[%get3A_590] {strides = array<i32>} : memref<208xi32, #tpu.memory_space<vmem>>, vector<16xi32>,
      tpu.vector_store_idx %arg12[%get3A_591], %broadcast_in_dim3A_3 : memref<8000xf32, #tpu.memory_space<vmem>>[vector<16xi32>], vector<16xf32>,
      %get3A_592 = arith.constant 64 : index
      %get3A_593 = tpu.vector_load %arg6[%get3A_592] {strides = array<i32>} : memref<208xi32, #tpu.memory_space<vmem>>, vector<16xi32>,
      tpu.vector_store_idx %arg12[%get3A_593], %broadcast_in_dim3A_3 : memref<8000xf32, #tpu.memory_space<vmem>>[vector<16xi32>], vector<16xf32>,
      %get3A_594 = arith.constant 80 : index
      %get3A_595 = tpu.vector_load %arg6[%get3A_594] {strides = array<i32>} : memref<208xi32, #tpu.memory_space<vmem>>, vector<16xi32>,
      tpu.vector_store_idx %arg12[%get3A_595], %broadcast_in_dim3A_3 : memref<8000xf32, #tpu.memory_space<vmem>>[vector<16xi32>], vector<16xf32>,
      %get3A_596 = arith.constant 96 : index
      %get3A_597 = tpu.vector_load %arg6[%get3A_596] {strides = array<i32>} : memref<208xi32, #tpu.memory_space<vmem>>, vector<16xi32>,
      tpu.vector_store_idx %arg12[%get3A_597], %broadcast_in_dim3A_3 : memref<8000xf32, #tpu.memory_space<vmem>>[vector<16xi32>], vector<16xf32>,
      %get3A_598 = arith.constant 112 : index
      %get3A_599 = tpu.vector_load %arg6[%get3A_598] {strides = array<i32>} : memref<208xi32, #tpu.memory_space<vmem>>, vector<16xi32>,
      tpu.vector_store_idx %arg12[%get3A_599], %broadcast_in_dim3A_3 : memref<8000xf32, #tpu.memory_space<vmem>>[vector<16xi32>], vector<16xf32>,
      %get3A_600 = arith.constant 128 : index
      %get3A_601 = tpu.vector_load %arg6[%get3A_600] {strides = array<i32>} : memref<208xi32, #tpu.memory_space<vmem>>, vector<16xi32>,
      tpu.vector_store_idx %arg12[%get3A_601], %broadcast_in_dim3A_3 : memref<8000xf32, #tpu.memory_space<vmem>>[vector<16xi32>], vector<16xf32>,
      %get3A_602 = arith.constant 144 : index
      %get3A_603 = tpu.vector_load %arg6[%get3A_602] {strides = array<i32>} : memref<208xi32, #tpu.memory_space<vmem>>, vector<16xi32>,
      tpu.vector_store_idx %arg12[%get3A_603], %broadcast_in_dim3A_3 : memref<8000xf32, #tpu.memory_space<vmem>>[vector<16xi32>], vector<16xf32>,
      %get3A_604 = arith.constant 160 : index
      %get3A_605 = tpu.vector_load %arg6[%get3A_604] {strides = array<i32>} : memref<208xi32, #tpu.memory_space<vmem>>, vector<16xi32>,
      tpu.vector_store_idx %arg12[%get3A_605], %broadcast_in_dim3A_3 : memref<8000xf32, #tpu.memory_space<vmem>>[vector<16xi32>], vector<16xf32>,
      %get3A_606 = arith.constant 176 : index
      %get3A_607 = tpu.vector_load %arg6[%get3A_606] {strides = array<i32>} : memref<208xi32, #tpu.memory_space<vmem>>, vector<16xi32>,
      tpu.vector_store_idx %arg12[%get3A_607], %broadcast_in_dim3A_3 : memref<8000xf32, #tpu.memory_space<vmem>>[vector<16xi32>], vector<16xf32>,
      %get3A_608 = arith.constant 192 : index
      %get3A_609 = tpu.vector_load %arg6[%get3A_608] {strides = array<i32>} : memref<208xi32, #tpu.memory_space<vmem>>, vector<16xi32>,
      tpu.vector_store_idx %arg12[%get3A_609], %broadcast_in_dim3A_3 : memref<8000xf32, #tpu.memory_space<vmem>>[vector<16xi32>], vector<16xf32>,
      %get3A_610 = arith.constant 0 : index
      %get3A_611 = tpu.vector_load %arg6[%get3A_610] {strides = array<i32>} : memref<208xi32, #tpu.memory_space<vmem>>, vector<16xi32>,
      %mul3A_612 = arith.constant 208 : i32
      %mul3A_613 = arith.muli %add3A_578, %mul3A_612 : i32
      %add3A_614 = arith.constant 0 : i32
      %add3A_615 = arith.addi %mul3A_613, %add3A_614 : i32
      %get3A_616 = arith.index_cast %add3A_615 : i32 to index
      %get3A_617 = tpu.vector_load %arg8[%get3A_616] {strides = array<i32>} : memref<13312xf32, #tpu.memory_space<vmem>>, vector<16xf32>,
      %get3A_618 = arith.constant 0 : index
      %get3A_619 = tpu.vector_load %arg7[%get3A_618] {strides = array<i32>} : memref<208xf32, #tpu.memory_space<vmem>>, vector<16xf32>,
      %mul3A_620 = arith.mulf %get3A_617, %get3A_619 : vector<16xf32>
      tpu.vector_store_idx %arg12[%get3A_611], %mul3A_620 {add = true} : memref<8000xf32, #tpu.memory_space<vmem>>[vector<16xi32>], vector<16xf32>,
      %get3A_621 = arith.constant 16 : index
      %get3A_622 = tpu.vector_load %arg6[%get3A_621] {strides = array<i32>} : memref<208xi32, #tpu.memory_space<vmem>>, vector<16xi32>,
      %mul3A_623 = arith.constant 208 : i32
      %mul3A_624 = arith.muli %add3A_578, %mul3A_623 : i32
      %add3A_625 = arith.constant 16 : i32
      %add3A_626 = arith.addi %mul3A_624, %add3A_625 : i32
      %get3A_627 = arith.index_cast %add3A_626 : i32 to index
      %get3A_628 = tpu.vector_load %arg8[%get3A_627] {strides = array<i32>} : memref<13312xf32, #tpu.memory_space<vmem>>, vector<16xf32>,
      %get3A_629 = arith.constant 16 : index
      %get3A_630 = tpu.vector_load %arg7[%get3A_629] {strides = array<i32>} : memref<208xf32, #tpu.memory_space<vmem>>, vector<16xf32>,
      %mul3A_631 = arith.mulf %get3A_628, %get3A_630 : vector<16xf32>
      tpu.vector_store_idx %arg12[%get3A_622], %mul3A_631 {add = true} : memref<8000xf32, #tpu.memory_space<vmem>>[vector<16xi32>], vector<16xf32>,
      %get3A_632 = arith.constant 32 : index
      %get3A_633 = tpu.vector_load %arg6[%get3A_632] {strides = array<i32>} : memref<208xi32, #tpu.memory_space<vmem>>, vector<16xi32>,
      %mul3A_634 = arith.constant 208 : i32
      %mul3A_635 = arith.muli %add3A_578, %mul3A_634 : i32
      %add3A_636 = arith.constant 32 : i32
      %add3A_637 = arith.addi %mul3A_635, %add3A_636 : i32
      %get3A_638 = arith.index_cast %add3A_637 : i32 to index
      %get3A_639 = tpu.vector_load %arg8[%get3A_638] {strides = array<i32>} : memref<13312xf32, #tpu.memory_space<vmem>>, vector<16xf32>,
      %get3A_640 = arith.constant 32 : index
      %get3A_641 = tpu.vector_load %arg7[%get3A_640] {strides = array<i32>} : memref<208xf32, #tpu.memory_space<vmem>>, vector<16xf32>,
      %mul3A_642 = arith.mulf %get3A_639, %get3A_641 : vector<16xf32>
      tpu.vector_store_idx %arg12[%get3A_633], %mul3A_642 {add = true} : memref<8000xf32, #tpu.memory_space<vmem>>[vector<16xi32>], vector<16xf32>,
      %get3A_643 = arith.constant 48 : index
      %get3A_644 = tpu.vector_load %arg6[%get3A_643] {strides = array<i32>} : memref<208xi32, #tpu.memory_space<vmem>>, vector<16xi32>,
      %mul3A_645 = arith.constant 208 : i32
      %mul3A_646 = arith.muli %add3A_578, %mul3A_645 : i32
      %add3A_647 = arith.constant 48 : i32
      %add3A_648 = arith.addi %mul3A_646, %add3A_647 : i32
      %get3A_649 = arith.index_cast %add3A_648 : i32 to index
      %get3A_650 = tpu.vector_load %arg8[%get3A_649] {strides = array<i32>} : memref<13312xf32, #tpu.memory_space<vmem>>, vector<16xf32>,
      %get3A_651 = arith.constant 48 : index
      %get3A_652 = tpu.vector_load %arg7[%get3A_651] {strides = array<i32>} : memref<208xf32, #tpu.memory_space<vmem>>, vector<16xf32>,
      %mul3A_653 = arith.mulf %get3A_650, %get3A_652 : vector<16xf32>
      tpu.vector_store_idx %arg12[%get3A_644], %mul3A_653 {add = true} : memref<8000xf32, #tpu.memory_space<vmem>>[vector<16xi32>], vector<16xf32>,
      %get3A_654 = arith.constant 64 : index
      %get3A_655 = tpu.vector_load %arg6[%get3A_654] {strides = array<i32>} : memref<208xi32, #tpu.memory_space<vmem>>, vector<16xi32>,
      %mul3A_656 = arith.constant 208 : i32
      %mul3A_657 = arith.muli %add3A_578, %mul3A_656 : i32
      %add3A_658 = arith.constant 64 : i32
      %add3A_659 = arith.addi %mul3A_657, %add3A_658 : i32
      %get3A_660 = arith.index_cast %add3A_659 : i32 to index
      %get3A_661 = tpu.vector_load %arg8[%get3A_660] {strides = array<i32>} : memref<13312xf32, #tpu.memory_space<vmem>>, vector<16xf32>,
      %get3A_662 = arith.constant 64 : index
      %get3A_663 = tpu.vector_load %arg7[%get3A_662] {strides = array<i32>} : memref<208xf32, #tpu.memory_space<vmem>>, vector<16xf32>,
      %mul3A_664 = arith.mulf %get3A_661, %get3A_663 : vector<16xf32>
      tpu.vector_store_idx %arg12[%get3A_655], %mul3A_664 {add = true} : memref<8000xf32, #tpu.memory_space<vmem>>[vector<16xi32>], vector<16xf32>,
      %get3A_665 = arith.constant 80 : index
      %get3A_666 = tpu.vector_load %arg6[%get3A_665] {strides = array<i32>} : memref<208xi32, #tpu.memory_space<vmem>>, vector<16xi32>,
      %mul3A_667 = arith.constant 208 : i32
      %mul3A_668 = arith.muli %add3A_578, %mul3A_667 : i32
      %add3A_669 = arith.constant 80 : i32
      %add3A_670 = arith.addi %mul3A_668, %add3A_669 : i32
      %get3A_671 = arith.index_cast %add3A_670 : i32 to index
      %get3A_672 = tpu.vector_load %arg8[%get3A_671] {strides = array<i32>} : memref<13312xf32, #tpu.memory_space<vmem>>, vector<16xf32>,
      %get3A_673 = arith.constant 80 : index
      %get3A_674 = tpu.vector_load %arg7[%get3A_673] {strides = array<i32>} : memref<208xf32, #tpu.memory_space<vmem>>, vector<16xf32>,
      %mul3A_675 = arith.mulf %get3A_672, %get3A_674 : vector<16xf32>
      tpu.vector_store_idx %arg12[%get3A_666], %mul3A_675 {add = true} : memref<8000xf32, #tpu.memory_space<vmem>>[vector<16xi32>], vector<16xf32>,
      %get3A_676 = arith.constant 96 : index
      %get3A_677 = tpu.vector_load %arg6[%get3A_676] {strides = array<i32>} : memref<208xi32, #tpu.memory_space<vmem>>, vector<16xi32>,
      %mul3A_678 = arith.constant 208 : i32
      %mul3A_679 = arith.muli %add3A_578, %mul3A_678 : i32
      %add3A_680 = arith.constant 96 : i32
      %add3A_681 = arith.addi %mul3A_679, %add3A_680 : i32
      %get3A_682 = arith.index_cast %add3A_681 : i32 to index
      %get3A_683 = tpu.vector_load %arg8[%get3A_682] {strides = array<i32>} : memref<13312xf32, #tpu.memory_space<vmem>>, vector<16xf32>,
      %get3A_684 = arith.constant 96 : index
      %get3A_685 = tpu.vector_load %arg7[%get3A_684] {strides = array<i32>} : memref<208xf32, #tpu.memory_space<vmem>>, vector<16xf32>,
      %mul3A_686 = arith.mulf %get3A_683, %get3A_685 : vector<16xf32>
      tpu.vector_store_idx %arg12[%get3A_677], %mul3A_686 {add = true} : memref<8000xf32, #tpu.memory_space<vmem>>[vector<16xi32>], vector<16xf32>,
      %get3A_687 = arith.constant 112 : index
      %get3A_688 = tpu.vector_load %arg6[%get3A_687] {strides = array<i32>} : memref<208xi32, #tpu.memory_space<vmem>>, vector<16xi32>,
      %mul3A_689 = arith.constant 208 : i32
      %mul3A_690 = arith.muli %add3A_578, %mul3A_689 : i32
      %add3A_691 = arith.constant 112 : i32
      %add3A_692 = arith.addi %mul3A_690, %add3A_691 : i32
      %get3A_693 = arith.index_cast %add3A_692 : i32 to index
      %get3A_694 = tpu.vector_load %arg8[%get3A_693] {strides = array<i32>} : memref<13312xf32, #tpu.memory_space<vmem>>, vector<16xf32>,
      %get3A_695 = arith.constant 112 : index
      %get3A_696 = tpu.vector_load %arg7[%get3A_695] {strides = array<i32>} : memref<208xf32, #tpu.memory_space<vmem>>, vector<16xf32>,
      %mul3A_697 = arith.mulf %get3A_694, %get3A_696 : vector<16xf32>
      tpu.vector_store_idx %arg12[%get3A_688], %mul3A_697 {add = true} : memref<8000xf32, #tpu.memory_space<vmem>>[vector<16xi32>], vector<16xf32>,
      %get3A_698 = arith.constant 128 : index
      %get3A_699 = tpu.vector_load %arg6[%get3A_698] {strides = array<i32>} : memref<208xi32, #tpu.memory_space<vmem>>, vector<16xi32>,
      %mul3A_700 = arith.constant 208 : i32
      %mul3A_701 = arith.muli %add3A_578, %mul3A_700 : i32
      %add3A_702 = arith.constant 128 : i32
      %add3A_703 = arith.addi %mul3A_701, %add3A_702 : i32
      %get3A_704 = arith.index_cast %add3A_703 : i32 to index
      %get3A_705 = tpu.vector_load %arg8[%get3A_704] {strides = array<i32>} : memref<13312xf32, #tpu.memory_space<vmem>>, vector<16xf32>,
      %get3A_706 = arith.constant 128 : index
      %get3A_707 = tpu.vector_load %arg7[%get3A_706] {strides = array<i32>} : memref<208xf32, #tpu.memory_space<vmem>>, vector<16xf32>,
      %mul3A_708 = arith.mulf %get3A_705, %get3A_707 : vector<16xf32>
      tpu.vector_store_idx %arg12[%get3A_699], %mul3A_708 {add = true} : memref<8000xf32, #tpu.memory_space<vmem>>[vector<16xi32>], vector<16xf32>,
      %get3A_709 = arith.constant 144 : index
      %get3A_710 = tpu.vector_load %arg6[%get3A_709] {strides = array<i32>} : memref<208xi32, #tpu.memory_space<vmem>>, vector<16xi32>,
      %mul3A_711 = arith.constant 208 : i32
      %mul3A_712 = arith.muli %add3A_578, %mul3A_711 : i32
      %add3A_713 = arith.constant 144 : i32
      %add3A_714 = arith.addi %mul3A_712, %add3A_713 : i32
      %get3A_715 = arith.index_cast %add3A_714 : i32 to index
      %get3A_716 = tpu.vector_load %arg8[%get3A_715] {strides = array<i32>} : memref<13312xf32, #tpu.memory_space<vmem>>, vector<16xf32>,
      %get3A_717 = arith.constant 144 : index
      %get3A_718 = tpu.vector_load %arg7[%get3A_717] {strides = array<i32>} : memref<208xf32, #tpu.memory_space<vmem>>, vector<16xf32>,
      %mul3A_719 = arith.mulf %get3A_716, %get3A_718 : vector<16xf32>
      tpu.vector_store_idx %arg12[%get3A_710], %mul3A_719 {add = true} : memref<8000xf32, #tpu.memory_space<vmem>>[vector<16xi32>], vector<16xf32>,
      %get3A_720 = arith.constant 160 : index
      %get3A_721 = tpu.vector_load %arg6[%get3A_720] {strides = array<i32>} : memref<208xi32, #tpu.memory_space<vmem>>, vector<16xi32>,
      %mul3A_722 = arith.constant 208 : i32
      %mul3A_723 = arith.muli %add3A_578, %mul3A_722 : i32
      %add3A_724 = arith.constant 160 : i32
      %add3A_725 = arith.addi %mul3A_723, %add3A_724 : i32
      %get3A_726 = arith.index_cast %add3A_725 : i32 to index
      %get3A_727 = tpu.vector_load %arg8[%get3A_726] {strides = array<i32>} : memref<13312xf32, #tpu.memory_space<vmem>>, vector<16xf32>,
      %get3A_728 = arith.constant 160 : index
      %get3A_729 = tpu.vector_load %arg7[%get3A_728] {strides = array<i32>} : memref<208xf32, #tpu.memory_space<vmem>>, vector<16xf32>,
      %mul3A_730 = arith.mulf %get3A_727, %get3A_729 : vector<16xf32>
      tpu.vector_store_idx %arg12[%get3A_721], %mul3A_730 {add = true} : memref<8000xf32, #tpu.memory_space<vmem>>[vector<16xi32>], vector<16xf32>,
      %get3A_731 = arith.constant 176 : index
      %get3A_732 = tpu.vector_load %arg6[%get3A_731] {strides = array<i32>} : memref<208xi32, #tpu.memory_space<vmem>>, vector<16xi32>,
      %mul3A_733 = arith.constant 208 : i32
      %mul3A_734 = arith.muli %add3A_578, %mul3A_733 : i32
      %add3A_735 = arith.constant 176 : i32
      %add3A_736 = arith.addi %mul3A_734, %add3A_735 : i32
      %get3A_737 = arith.index_cast %add3A_736 : i32 to index
      %get3A_738 = tpu.vector_load %arg8[%get3A_737] {strides = array<i32>} : memref<13312xf32, #tpu.memory_space<vmem>>, vector<16xf32>,
      %get3A_739 = arith.constant 176 : index
      %get3A_740 = tpu.vector_load %arg7[%get3A_739] {strides = array<i32>} : memref<208xf32, #tpu.memory_space<vmem>>, vector<16xf32>,
      %mul3A_741 = arith.mulf %get3A_738, %get3A_740 : vector<16xf32>
      tpu.vector_store_idx %arg12[%get3A_732], %mul3A_741 {add = true} : memref<8000xf32, #tpu.memory_space<vmem>>[vector<16xi32>], vector<16xf32>,
      %get3A_742 = arith.constant 192 : index
      %get3A_743 = tpu.vector_load %arg6[%get3A_742] {strides = array<i32>} : memref<208xi32, #tpu.memory_space<vmem>>, vector<16xi32>,
      %mul3A_744 = arith.constant 208 : i32
      %mul3A_745 = arith.muli %add3A_578, %mul3A_744 : i32
      %add3A_746 = arith.constant 192 : i32
      %add3A_747 = arith.addi %mul3A_745, %add3A_746 : i32
      %get3A_748 = arith.index_cast %add3A_747 : i32 to index
      %get3A_749 = tpu.vector_load %arg8[%get3A_748] {strides = array<i32>} : memref<13312xf32, #tpu.memory_space<vmem>>, vector<16xf32>,
      %get3A_750 = arith.constant 192 : index
      %get3A_751 = tpu.vector_load %arg7[%get3A_750] {strides = array<i32>} : memref<208xf32, #tpu.memory_space<vmem>>, vector<16xf32>,
      %mul3A_752 = arith.mulf %get3A_749, %get3A_751 : vector<16xf32>
      tpu.vector_store_idx %arg12[%get3A_743], %mul3A_752 {add = true} : memref<8000xf32, #tpu.memory_space<vmem>>[vector<16xi32>], vector<16xf32>,
      %add3A_753 = arith.addi %mul3A_2, %add3A_578 : i32
      %mul3A_754 = arith.constant 8000 : i32
      %mul3A_755 = arith.muli %add3A_753, %mul3A_754 : i32
      %dma_start3A_756 = tpu.memref_slice %arg5[%mul3A_755] : memref<16384000xf32, #tpu.memory_space<hbm>> -> memref<8000xf32, #tpu.memory_space<hbm>>
      %dma_start3A_757 = tpu.memref_slice %arg5[%mul3A_755] : memref<16384000xf32, #tpu.memory_space<hbm>> -> memref<8000xf32, #tpu.memory_space<hbm>>
      tpu.enqueue_dma source(%arg12 : memref<8000xf32, #tpu.memory_space<vmem>>) target(%dma_start3A_757 : memref<8000xf32, #tpu.memory_space<hbm>>) target_semaphore(%arg16 : memref<!tpu.dma_semaphore, #tpu.memory_space<semaphore_mem>>)
    }
    %scan3A_18 = arith.constant 16 : i32
    %dma_wait3A = arith.constant 0 : i32
    %dma_wait3A_19 = tpu.memref_slice %arg5[%dma_wait3A] : memref<16384000xf32, #tpu.memory_space<hbm>> -> memref<8000xf32, #tpu.memory_space<hbm>>
    %dma_wait3A_20 = arith.constant 0 : i32
    %dma_wait3A_21 = tpu.memref_slice %arg5[%dma_wait3A_20] : memref<16384000xf32, #tpu.memory_space<hbm>> -> memref<8000xf32, #tpu.memory_space<hbm>>
    tpu.wait_dma2 semaphore(%arg13 : memref<!tpu.dma_semaphore, #tpu.memory_space<semaphore_mem>>) src(%arg9 : memref<8000xf32, #tpu.memory_space<vmem>>) dst(%dma_wait3A_21 : memref<8000xf32, #tpu.memory_space<hbm>>)
    %dma_wait3A_22 = arith.constant 0 : i32
    %dma_wait3A_23 = tpu.memref_slice %arg5[%dma_wait3A_22] : memref<16384000xf32, #tpu.memory_space<hbm>> -> memref<8000xf32, #tpu.memory_space<hbm>>
    %dma_wait3A_24 = arith.constant 0 : i32
    %dma_wait3A_25 = tpu.memref_slice %arg5[%dma_wait3A_24] : memref<16384000xf32, #tpu.memory_space<hbm>> -> memref<8000xf32, #tpu.memory_space<hbm>>
    tpu.wait_dma2 semaphore(%arg14 : memref<!tpu.dma_semaphore, #tpu.memory_space<semaphore_mem>>) src(%arg10 : memref<8000xf32, #tpu.memory_space<vmem>>) dst(%dma_wait3A_25 : memref<8000xf32, #tpu.memory_space<hbm>>)
    %dma_wait3A_26 = arith.constant 0 : i32
    %dma_wait3A_27 = tpu.memref_slice %arg5[%dma_wait3A_26] : memref<16384000xf32, #tpu.memory_space<hbm>> -> memref<8000xf32, #tpu.memory_space<hbm>>
    %dma_wait3A_28 = arith.constant 0 : i32
    %dma_wait3A_29 = tpu.memref_slice %arg5[%dma_wait3A_28] : memref<16384000xf32, #tpu.memory_space<hbm>> -> memref<8000xf32, #tpu.memory_space<hbm>>
    tpu.wait_dma2 semaphore(%arg15 : memref<!tpu.dma_semaphore, #tpu.memory_space<semaphore_mem>>) src(%arg11 : memref<8000xf32, #tpu.memory_space<vmem>>) dst(%dma_wait3A_29 : memref<8000xf32, #tpu.memory_space<hbm>>)
    %dma_wait3A_30 = arith.constant 0 : i32
    %dma_wait3A_31 = tpu.memref_slice %arg5[%dma_wait3A_30] : memref<16384000xf32, #tpu.memory_space<hbm>> -> memref<8000xf32, #tpu.memory_space<hbm>>
    %dma_wait3A_32 = arith.constant 0 : i32
    %dma_wait3A_33 = tpu.memref_slice %arg5[%dma_wait3A_32] : memref<16384000xf32, #tpu.memory_space<hbm>> -> memref<8000xf32, #tpu.memory_space<hbm>>
    tpu.wait_dma2 semaphore(%arg16 : memref<!tpu.dma_semaphore, #tpu.memory_space<semaphore_mem>>) src(%arg12 : memref<8000xf32, #tpu.memory_space<vmem>>) dst(%dma_wait3A_33 : memref<8000xf32, #tpu.memory_space<hbm>>)
    return
  }
}

module attributes {stable_mosaic.version = 14 : i64} {
  func.func @_gate_body(%arg0: i32, %arg1: memref<512x2048xf32, #tpu.memory_space<vmem>>, %arg2: memref<512x2048xf32, #tpu.memory_space<vmem>>, %arg3: memref<2048x2048xbf16, #tpu.memory_space<vmem>>, %arg4: memref<2048x2048xbf16, #tpu.memory_space<vmem>>, %arg5: memref<1x2048xf32, #tpu.memory_space<vmem>>, %arg6: memref<512x1xf32, #tpu.memory_space<vmem>>, %arg7: memref<1x2048xf32, #tpu.memory_space<vmem>>, %arg8: memref<1xf32, #tpu.memory_space<smem>>, %arg9: memref<512x1xf32, #tpu.memory_space<vmem>>, %arg10: memref<512x1xf32, #tpu.memory_space<vmem>>) attributes {dimension_semantics = [#tpu.dimension_semantics<arbitrary>], iteration_bounds = array<i64: 4>, scalar_prefetch = 0 : i64, scratch_operands = 0 : i64, tpu.core_type = #tpu.core_type<tc>, window_params = [{transform_indices = @transform_0, window_bounds = array<i64: 512, 2048>}, {transform_indices = @transform_1, window_bounds = array<i64: 512, 2048>}, {pipeline_mode = #tpu.pipeline_mode<synchronous>, transform_indices = @transform_2, window_bounds = array<i64: 2048, 2048>}, {pipeline_mode = #tpu.pipeline_mode<synchronous>, transform_indices = @transform_3, window_bounds = array<i64: 2048, 2048>}, {pipeline_mode = #tpu.pipeline_mode<synchronous>, transform_indices = @transform_4, window_bounds = array<i64: 1, 2048>}, {transform_indices = @transform_5, window_bounds = array<i64: 512, 1>}, {pipeline_mode = #tpu.pipeline_mode<synchronous>, transform_indices = @transform_6, window_bounds = array<i64: 1, 2048>}, {transform_indices = @transform_7, window_bounds = array<i64: 1>}, {transform_indices = @transform_8, window_bounds = array<i64: 512, 1>}, {transform_indices = @transform_9, window_bounds = array<i64: 512, 1>}]} {
    %get3A = arith.constant 0 : index
    %get3A_0 = arith.constant 0 : index
    %get3A_1 = vector.load %arg1[%get3A, %get3A_0] : memref<512x2048xf32, #tpu.memory_space<vmem>>, vector<512x2048xf32>
    %convert_element_type3A = arith.truncf %get3A_1 : vector<512x2048xf32> to vector<512x2048xbf16>
    %get3A_2 = arith.constant 0 : index
    %get3A_3 = arith.constant 0 : index
    %get3A_4 = vector.load %arg2[%get3A_2, %get3A_3] : memref<512x2048xf32, #tpu.memory_space<vmem>>, vector<512x2048xf32>
    %convert_element_type3A_5 = arith.truncf %get3A_4 : vector<512x2048xf32> to vector<512x2048xbf16>
    %get3A_6 = arith.constant 0 : index
    %get3A_7 = arith.constant 0 : index
    %get3A_8 = vector.load %arg3[%get3A_6, %get3A_7] : memref<2048x2048xbf16, #tpu.memory_space<vmem>>, vector<2048x2048xbf16>
    %dot_general3A = arith.constant dense<0.000000e+00> : vector<512x2048xf32>
    %dot_general3A_9 = tpu.matmul %convert_element_type3A, %get3A_8, %dot_general3A {dimension_numbers = #tpu.dot_dimension_numbers<[1], [1], [0], [0], [0, 0, 1, 0], [], []>, transpose_lhs_hint = false} : vector<512x2048xbf16>, vector<2048x2048xbf16>, vector<512x2048xf32> -> vector<512x2048xf32>
    %get3A_10 = arith.constant 0 : index
    %get3A_11 = arith.constant 0 : index
    %get3A_12 = vector.load %arg4[%get3A_10, %get3A_11] : memref<2048x2048xbf16, #tpu.memory_space<vmem>>, vector<2048x2048xbf16>
    %dot_general3A_13 = arith.constant dense<0.000000e+00> : vector<512x2048xf32>
    %dot_general3A_14 = tpu.matmul %convert_element_type3A_5, %get3A_12, %dot_general3A_13 {dimension_numbers = #tpu.dot_dimension_numbers<[1], [1], [0], [0], [0, 0, 1, 0], [], []>, transpose_lhs_hint = false} : vector<512x2048xbf16>, vector<2048x2048xbf16>, vector<512x2048xf32> -> vector<512x2048xf32>
    %add3A = arith.addf %dot_general3A_9, %dot_general3A_14 : vector<512x2048xf32>
    %get3A_15 = arith.constant 0 : index
    %get3A_16 = arith.constant 0 : index
    %get3A_17 = vector.load %arg5[%get3A_15, %get3A_16] : memref<1x2048xf32, #tpu.memory_space<vmem>>, vector<1x2048xf32>
    %add3A_18 = vector.broadcast %get3A_17 : vector<1x2048xf32> to vector<512x2048xf32>
    %add3A_19 = arith.addf %add3A, %add3A_18 : vector<512x2048xf32>
    %tanh3A = math.tanh %add3A_19 : vector<512x2048xf32>
    %get3A_20 = arith.constant 0 : index
    %get3A_21 = arith.constant 0 : index
    %get3A_22 = vector.load %arg7[%get3A_20, %get3A_21] : memref<1x2048xf32, #tpu.memory_space<vmem>>, vector<1x2048xf32>
    %dot_general3A_23 = arith.constant dense<0.000000e+00> : vector<512x1xf32>
    %dot_general3A_24 = tpu.matmul %tanh3A, %get3A_22, %dot_general3A_23 {dimension_numbers = #tpu.dot_dimension_numbers<[1], [1], [0], [0], [0, 0, 1, 0], [], []>, transpose_lhs_hint = false} : vector<512x2048xf32>, vector<1x2048xf32>, vector<512x1xf32> -> vector<512x1xf32>
    %get3A_25 = arith.constant 0 : index
    %get3A_26 = arith.constant 0 : index
    %get3A_27 = vector.load %arg6[%get3A_25, %get3A_26] : memref<512x1xf32, #tpu.memory_space<vmem>>, vector<512x1xf32>
    %mul3A = arith.mulf %dot_general3A_24, %get3A_27 : vector<512x1xf32>
    %get3A_28 = arith.constant 0 : index
    %get3A_29 = memref.load %arg8[%get3A_28] : memref<1xf32, #tpu.memory_space<smem>>
    %add3A_30 = vector.broadcast %get3A_29 : f32 to vector<512x1xf32>
    %add3A_31 = arith.addf %mul3A, %add3A_30 : vector<512x1xf32>
    %logistic3A = arith.negf %add3A_31 : vector<512x1xf32>
    %logistic3A_32 = math.exp %logistic3A : vector<512x1xf32>
    %logistic3A_33 = arith.constant 1.000000e+00 : f32
    %logistic3A_34 = vector.broadcast %logistic3A_33 : f32 to vector<512x1xf32>
    %logistic3A_35 = arith.addf %logistic3A_34, %logistic3A_32 : vector<512x1xf32>
    %logistic3A_36 = arith.divf %logistic3A_34, %logistic3A_35 : vector<512x1xf32>
    %mul3A_37 = arith.mulf %logistic3A_36, %get3A_27 : vector<512x1xf32>
    %swap3A = arith.constant 0 : index
    %swap3A_38 = arith.constant 0 : index
    %swap3A_39 = vector.load %arg9[%swap3A, %swap3A_38] : memref<512x1xf32, #tpu.memory_space<vmem>>, vector<512x1xf32>
    tpu.vector_store %arg9[%swap3A, %swap3A_38], %mul3A_37 {strides = array<i32>} : memref<512x1xf32, #tpu.memory_space<vmem>>, vector<512x1xf32>,
    %sub3A = arith.subf %get3A_27, %mul3A_37 : vector<512x1xf32>
    %swap3A_40 = arith.constant 0 : index
    %swap3A_41 = arith.constant 0 : index
    %swap3A_42 = vector.load %arg10[%swap3A_40, %swap3A_41] : memref<512x1xf32, #tpu.memory_space<vmem>>, vector<512x1xf32>
    tpu.vector_store %arg10[%swap3A_40, %swap3A_41], %sub3A {strides = array<i32>} : memref<512x1xf32, #tpu.memory_space<vmem>>, vector<512x1xf32>,
    return
  }
  func.func @transform_0(%arg0: i32) -> (i32, i32) {
    %c0_i32 = arith.constant 0 : i32
    %c0_i32_0 = arith.constant 0 : i32
    return %arg0, %c0_i32 : i32, i32
  }
  func.func @transform_1(%arg0: i32) -> (i32, i32) {
    %c0_i32 = arith.constant 0 : i32
    %c0_i32_0 = arith.constant 0 : i32
    return %arg0, %c0_i32 : i32, i32
  }
  func.func @transform_2(%arg0: i32) -> (i32, i32) {
    %c0_i32 = arith.constant 0 : i32
    %c0_i32_0 = arith.constant 0 : i32
    %c0_i32_1 = arith.constant 0 : i32
    return %c0_i32, %c0_i32_0 : i32, i32
  }
  func.func @transform_3(%arg0: i32) -> (i32, i32) {
    %c0_i32 = arith.constant 0 : i32
    %c0_i32_0 = arith.constant 0 : i32
    %c0_i32_1 = arith.constant 0 : i32
    return %c0_i32, %c0_i32_0 : i32, i32
  }
  func.func @transform_4(%arg0: i32) -> (i32, i32) {
    %c0_i32 = arith.constant 0 : i32
    %c0_i32_0 = arith.constant 0 : i32
    %c0_i32_1 = arith.constant 0 : i32
    return %c0_i32, %c0_i32_0 : i32, i32
  }
  func.func @transform_5(%arg0: i32) -> (i32, i32) {
    %c0_i32 = arith.constant 0 : i32
    %c0_i32_0 = arith.constant 0 : i32
    return %arg0, %c0_i32 : i32, i32
  }
  func.func @transform_6(%arg0: i32) -> (i32, i32) {
    %c0_i32 = arith.constant 0 : i32
    %c0_i32_0 = arith.constant 0 : i32
    %c0_i32_1 = arith.constant 0 : i32
    return %c0_i32, %c0_i32_0 : i32, i32
  }
  func.func @transform_7(%arg0: i32) -> i32 {
    %c0_i32 = arith.constant 0 : i32
    %c0_i32_0 = arith.constant 0 : i32
    return %c0_i32 : i32
  }
  func.func @transform_8(%arg0: i32) -> (i32, i32) {
    %c0_i32 = arith.constant 0 : i32
    %c0_i32_0 = arith.constant 0 : i32
    return %arg0, %c0_i32 : i32, i32
  }
  func.func @transform_9(%arg0: i32) -> (i32, i32) {
    %c0_i32 = arith.constant 0 : i32
    %c0_i32_0 = arith.constant 0 : i32
    return %arg0, %c0_i32 : i32, i32
  }
}

module attributes {stable_mosaic.version = 14 : i64} {
  func.func @_fmerge_body(%arg0: i32, %arg1: memref<128x8000xf32, #tpu.memory_space<vmem>>, %arg2: memref<128x8000xf32, #tpu.memory_space<vmem>>, %arg3: memref<128x1xf32, #tpu.memory_space<vmem>>, %arg4: memref<128x1xf32, #tpu.memory_space<vmem>>, %arg5: memref<128x8000xf32, #tpu.memory_space<vmem>>) attributes {dimension_semantics = [#tpu.dimension_semantics<arbitrary>], iteration_bounds = array<i64: 16>, scalar_prefetch = 0 : i64, scratch_operands = 0 : i64, tpu.core_type = #tpu.core_type<tc>, window_params = [{transform_indices = @transform_0, window_bounds = array<i64: 128, 8000>}, {transform_indices = @transform_1, window_bounds = array<i64: 128, 8000>}, {transform_indices = @transform_2, window_bounds = array<i64: 128, 1>}, {transform_indices = @transform_3, window_bounds = array<i64: 128, 1>}, {transform_indices = @transform_4, window_bounds = array<i64: 128, 8000>}]} {
    %get3A = arith.constant 0 : index
    %get3A_0 = arith.constant 0 : index
    %get3A_1 = vector.load %arg3[%get3A, %get3A_0] : memref<128x1xf32, #tpu.memory_space<vmem>>, vector<128x1xf32>
    %get3A_2 = arith.constant 0 : index
    %get3A_3 = arith.constant 0 : index
    %get3A_4 = vector.load %arg1[%get3A_2, %get3A_3] : memref<128x8000xf32, #tpu.memory_space<vmem>>, vector<128x8000xf32>
    %mul3A = vector.broadcast %get3A_1 : vector<128x1xf32> to vector<128x8000xf32>
    %mul3A_5 = arith.mulf %mul3A, %get3A_4 : vector<128x8000xf32>
    %get3A_6 = arith.constant 0 : index
    %get3A_7 = arith.constant 0 : index
    %get3A_8 = vector.load %arg4[%get3A_6, %get3A_7] : memref<128x1xf32, #tpu.memory_space<vmem>>, vector<128x1xf32>
    %get3A_9 = arith.constant 0 : index
    %get3A_10 = arith.constant 0 : index
    %get3A_11 = vector.load %arg2[%get3A_9, %get3A_10] : memref<128x8000xf32, #tpu.memory_space<vmem>>, vector<128x8000xf32>
    %mul3A_12 = vector.broadcast %get3A_8 : vector<128x1xf32> to vector<128x8000xf32>
    %mul3A_13 = arith.mulf %mul3A_12, %get3A_11 : vector<128x8000xf32>
    %add3A = arith.addf %mul3A_5, %mul3A_13 : vector<128x8000xf32>
    %swap3A = arith.constant 0 : index
    %swap3A_14 = arith.constant 0 : index
    %swap3A_15 = vector.load %arg5[%swap3A, %swap3A_14] : memref<128x8000xf32, #tpu.memory_space<vmem>>, vector<128x8000xf32>
    tpu.vector_store %arg5[%swap3A, %swap3A_14], %add3A {strides = array<i32>} : memref<128x8000xf32, #tpu.memory_space<vmem>>, vector<128x8000xf32>,
    return
  }
  func.func @transform_0(%arg0: i32) -> (i32, i32) {
    %c0_i32 = arith.constant 0 : i32
    %c0_i32_0 = arith.constant 0 : i32
    return %arg0, %c0_i32 : i32, i32
  }
  func.func @transform_1(%arg0: i32) -> (i32, i32) {
    %c0_i32 = arith.constant 0 : i32
    %c0_i32_0 = arith.constant 0 : i32
    return %arg0, %c0_i32 : i32, i32
  }
  func.func @transform_2(%arg0: i32) -> (i32, i32) {
    %c0_i32 = arith.constant 0 : i32
    %c0_i32_0 = arith.constant 0 : i32
    return %arg0, %c0_i32 : i32, i32
  }
  func.func @transform_3(%arg0: i32) -> (i32, i32) {
    %c0_i32 = arith.constant 0 : i32
    %c0_i32_0 = arith.constant 0 : i32
    return %arg0, %c0_i32 : i32, i32
  }
  func.func @transform_4(%arg0: i32) -> (i32, i32) {
    %c0_i32 = arith.constant 0 : i32
    %c0_i32_0 = arith.constant 0 : i32
    return %arg0, %c0_i32 : i32, i32
  }
}

</mosaic_0001>

<sc_bundles>
// kernel: kernel.5.cloned.1.call-start
scs
__scs_entry_jumppad:
0x0: {  	(pc) =	sbr.rel $0x88, $3  }
0x1: {  	(tag) =	ssettag $0x0;
	lr =	simm.s32 $0x1  }
0x2: {  	[smem:$0x3F94] =	sst lr;
	_ =	strace $0xD0000000  }
0x3: {  	_ = 	snop  }
0x4: {  	_ = 	snop  }
0x5: {  	_ = 	snop  }
0x6: {  	_ = 	snop  }
0x7: {  	_ = 	snop  }
__scs_overlays_trampoline_lowered:
0x8: {  	[smem:$0x3FA3] =	sst s0  }
0x9: {  	[smem:$0x3FA4] =	sst s1  }
0xa: {  	[smem:$0x3FA5] =	sst s2  }
0xb: {  	[smem:$0x3FA6] =	sst s3  }
0xc: {  	[smem:$0x3FA7] =	sst s4  }
0xd: {  	[smem:$0x3FA8] =	sst s5  }
0xe: {  	[smem:$0x3FA9] =	sst s6  }
0xf: {  	[smem:$0x3FAA] =	sst s7  }
0x10: {  	[smem:$0x3FAB] =	sst s8  }
0x11: {  	[smem:$0x3FAC] =	sst s9;
	s0 =	simm.s32 @!p0 $0x0  }
0x12: {  	s1 =	sld [smem:$0x3F92];
	s0 =	simm.s32 @p0 $0x1  }
0x13: {  	[smem:$0x3FAD] =	sst s0;
	s0 =	simm.s32 @!p1 $0x0  }
0x14: {  	s2 =	sld [smem:$0x3F91];
	s0 =	simm.s32 @p1 $0x1  }
0x15: {  	[smem:$0x3FAE] =	sst s0;
	s0 =	simm.s32 @!p2 $0x0  }
0x16: {  	s3 =	sld [smem:$0x3FDB];
	s0 =	simm.s32 @p2 $0x1  }
0x17: {  	s4 =	simm.s32 $0x1BF5;
	[smem:$0x3FB0] =	sst s0  }
0x18: {  	s0 =	sld [smem:$0x3F93];
	_ =	swait.ge [sflag:s4], $0x0  }
0x19: {  	s7 =	sld [smem:$0x3F94]  }
0x1a: {  	s8 =	sadd.s32 $0xFFFFE003, lr  }
0x1b: {  	s9 =	sadd.s32 $0xFFFFFEF7, lr;
	s5 =	simm.s32 $0xFFFFFFFF;
	p2 =	slt.u32 s8, $0xFFFFF086  }
0x1c: {  	p1 =	slt.u32 s9, $0xF7A;
	s5 =	simm.s32 @!p2 $0x0  }
0x1d: {  	s5 =	simm.s32 @p1 $0x1;
	p0 =	seq.s32 s7, s2  }
0x1e: {  	s7 =	smul.u32 @!p0 $0xF7A, s2;
	p2 =	seq.s32 @!p0 s5, $0x0  }
0x1f: {  	s9 =	smul.u32 $0xF7A, s1;
	s8 =	simm.s32 @!p0 $0x1BF5;
	p2 =	por !p2, p0  }
0x20: {  	[sflag:s8] =	ssyncset.s32 @!p0 $0xFFFFF086;
	s6 =	sadd.s32 @!p0 s3, s7;
	s7 =	simm.s32 @!p0 $0x108  }
0x21: {  	s3 =	sadd.s32 s3, s9;
	s6 =	sadd.s32 @!p0 $0x88, s6;
	s7 =	simm.s32 @p2 $0x1082  }
0x22: {  	[simem:s7], [sflag:s8] =	dma.local @!p0 [hbm:s6], $0xF7A  }
0x23: {  	s9 =	sor.u32 $0xD0000000, s2;
	s6 =	simm.s32 $0x108;
	_ =	swait.ge @!p0 [sflag:s8], $0x0  }
0x24: {  	s3 =	sadd.s32 $0x88, s3;
	s6 =	simm.s32 @!p1 $0x1082;
	[sflag:s4] =	ssyncset.s32 $0xFFFFF086  }
0x25: {  	[simem:s6], [sflag:s4] =	dma.local [hbm:s3], $0xF7A  }
0x26: {  	[smem:$0x3F94] =	sst s1;
	(tag) =	ssettag s2;
	_ =	strace s9  }
0x27: {  	s1 =	sld [smem:$0x3FA4]  }
0x28: {  	s2 =	sld [smem:$0x3FA5]  }
0x29: {  	s4 =	sld [smem:$0x3FA7]  }
0x2a: {  	p0 =	seq.s32 s5, $0x0;
	s5 =	sld [smem:$0x3FA8]  }
0x2b: {  	s6 =	sld [smem:$0x3FA9]  }
0x2c: {  	s7 =	sld [smem:$0x3FAA]  }
0x2d: {  	s3 =	simm.s32 $0x108;
	s8 =	sld [smem:$0x3FAB]  }
0x2e: {  	s3 =	simm.s32 @!p0 $0x1082;
	s9 =	sld [smem:$0x3FAC]  }
0x2f: {  	lr =	sadd.s32 s0, s3;
	s0 =	sld [smem:$0x3FA3]  }
0x30: {  	s3 =	sld [smem:$0x3FA6]  }
0x31: {  	[smem:$0x3FAF] =	sst s10  }
0x32: {  	s10 =	sld [smem:$0x3FAD];
	_ =	sdelay $0x3  }
0x33: {  	p0 =	seq.s32 s10, $0x1;
	s10 =	sld [smem:$0x3FAF];
	_ =	sdelay $0x3  }
0x34: {  	[smem:$0x3FAF] =	sst s10  }
0x35: {  	s10 =	sld [smem:$0x3FAE];
	_ =	sdelay $0x3  }
0x36: {  	p1 =	seq.s32 s10, $0x1;
	s10 =	sld [smem:$0x3FAF];
	_ =	sdelay $0x3  }
0x37: {  	[smem:$0x3FAF] =	sst s10  }
0x38: {  	s10 =	sld [smem:$0x3FB0]  }
0x39: {  	_ = 	snop;
	(pc) =	sbr.ind lr, $3  }
0x3a: {  	_ = 	snop  }
0x3b: {  	_ = 	snop  }
0x3c: {  	p2 =	seq.s32 s10, $0x1;
	s10 =	sld [smem:$0x3FAF]  }
0x3d: {  	_ =	shalt  }
0x3e: {  	_ =	shalt  }
0x3f: {  	_ =	shalt  }
0x40: {  	_ =	shalt  }
0x41: {  	_ =	shalt  }
0x42: {  	_ =	shalt  }
0x43: {  	_ =	shalt  }
0x44: {  	_ =	shalt  }
0x45: {  	_ =	shalt  }
0x46: {  	_ =	shalt  }
0x47: {  	_ =	shalt  }
0x48: {  	_ =	shalt  }
0x49: {  	_ =	shalt  }
0x4a: {  	_ =	shalt  }
0x4b: {  	_ =	shalt  }
0x4c: {  	_ =	shalt  }
0x4d: {  	_ =	shalt  }
0x4e: {  	_ =	shalt  }
0x4f: {  	_ =	shalt  }
0x50: {  	_ =	shalt  }
0x51: {  	_ =	shalt  }
0x52: {  	_ =	shalt  }
0x53: {  	_ =	shalt  }
0x54: {  	_ =	shalt  }
0x55: {  	_ =	shalt  }
0x56: {  	_ =	shalt  }
0x57: {  	_ =	shalt  }
0x58: {  	_ =	shalt  }
0x59: {  	_ =	shalt  }
0x5a: {  	_ =	shalt  }
0x5b: {  	_ =	shalt  }
0x5c: {  	_ =	shalt  }
0x5d: {  	_ =	shalt  }
0x5e: {  	_ =	shalt  }
0x5f: {  	_ =	shalt  }
0x60: {  	_ =	shalt  }
0x61: {  	_ =	shalt  }
0x62: {  	_ =	shalt  }
0x63: {  	_ =	shalt  }
0x64: {  	_ =	shalt  }
0x65: {  	_ =	shalt  }
0x66: {  	_ =	shalt  }
0x67: {  	_ =	shalt  }
0x68: {  	_ =	shalt  }
0x69: {  	_ =	shalt  }
0x6a: {  	_ =	shalt  }
0x6b: {  	_ =	shalt  }
0x6c: {  	_ =	shalt  }
0x6d: {  	_ =	shalt  }
0x6e: {  	_ =	shalt  }
0x6f: {  	_ =	shalt  }
0x70: {  	_ =	shalt  }
0x71: {  	_ =	shalt  }
0x72: {  	_ =	shalt  }
0x73: {  	_ =	shalt  }
0x74: {  	_ =	shalt  }
0x75: {  	_ =	shalt  }
0x76: {  	_ =	shalt  }
0x77: {  	_ =	shalt  }
0x78: {  	_ =	shalt  }
0x79: {  	_ =	shalt  }
0x7a: {  	_ =	shalt  }
0x7b: {  	_ =	shalt  }
0x7c: {  	_ =	shalt  }
0x7d: {  	_ =	shalt  }
0x7e: {  	_ =	shalt  }
0x7f: {  	_ =	shalt  }
0x80: {  	_ =	shalt  }
0x81: {  	_ =	shalt  }
0x82: {  	_ =	shalt  }
0x83: {  	_ =	shalt  }
0x84: {  	_ =	shalt  }
0x85: {  	_ =	shalt  }
0x86: {  	_ =	shalt  }
0x87: {  	_ =	shalt  }
.Lfunc_end0:
.L_simem_size_0:
called_computation_lowered:
.L_overlay_start_0:
0x88: {  	s2 =	sld [smem:$0x3FD9]  }
0x89: {  	s3 =	sld [smem:$0x3FFE];
	_ =	sdelay $0x1  }
0x8a: {  	s1 =	srdreg.scid  }
0x8b: {  	s0 =	sand.u32 $0x1, s1  }
0x8c: {  	s17 =	sshll.u32 s0, $0xA;
	s2 =	sadd.s32 s3, s2  }
0x8d: {  	s2 =	sadd.s32 s2, s17  }
0x8e: {  	[smem:$0x3FBB] =	sst s2  }
0x8f: {  	_ = 	snop  }
0x90: {  	s2 =	sld [smem:$0x3FD0];
	(tm) =	ssettm $0x1  }
0x91: {  	s18 =	sld [smem:$0x3FFB];
	_ =	sdelay $0x3  }
0x92: {  	_ =	strace s18  }
0x93: {  	s3 =	sld [smem:$0x3FFC];
	_ =	sdelay $0x3  }
0x94: {  	_ =	strace s3  }
0x95: {  	s3 =	sld [smem:$0x3FFD];
	_ =	sdelay $0x3  }
0x96: {  	_ =	strace s3  }
0x97: {  	_ =	strace $0x8FFFFFFF  }
0x98: {  	s19 =	sld [smem:$0x3FDB];
	_ =	sdelay $0x1  }
0x99: {  	s4 =	simm.s32 $_scs_section_size  }
0x9a: {  	s5 =	simm.s32 $_size__tile_overlayer_lowered;
	s6 =	simm.s32 $_tile_overlayer_lowered  }
0x9b: {  	s22 =	simm.s32 $0x1BFF;
	s21 =	sshll.u32 s6, $0x1;
	s3 =	sadd.s32 s4, s19  }
0x9c: {  	s7 =	simm.s32 $0x0;
	s20 =	sshll.u32 s5, $0x1;
	s5 =	sadd.s32 s21, s3  }
0x9d: {  	[timem:s7], [sflag:s22] =	dma.local [hbm:s5], s20  }
0x9e: {  	_ =	swait.ge [sflag:s22], s20  }
0x9f: {  	s4 =	ssub.s32 $0x0, s20;
	[sflag:s22] =	ssyncset.done $0x0  }
0xa0: {  	[sflag:s22] =	ssyncadd.s32 s4;
	_ =	sdelay $0x1  }
0xa1: {  	s23 =	simm.s32 $0x1B8B  }
0xa2: {  	_ =	swait.ge [sflag:s23], $0x1  }
0xa3: {  	[sflag:s23] =	ssyncset.done $0x0  }
0xa4: {  	s25 =	simm.s32 $0x1B8E;
	s24 =	sld [smem:$0x3FFE];
	[sflag:s23] =	ssyncadd.s32 $0xFFFFFFFF  }
0xa5: {  	s26 =	simm.s32 $execute0_lowered;
	[smem:$0x3FD2] =	sst s25  }
0xa6: {  	s5 =	sshll.u32 s26, $0x1;
	_ =	strace $0x80000046;
	[dreg:$0x1] =	wrdreg $0xFFFFFFFF  }
0xa7: {  	s28 =	simm.s32 $_size_execute0_lowered;
	s3 =	sadd.s32 s3, s5;
	[dreg:$0x0] =	wrdreg $0x0  }
0xa8: {  	s5 =	sshll.u32 s28, $0x1;
	[dreg:$0x2] =	wrdreg s3  }
0xa9: {  	[dreg:$0x3] =	wrdreg s5  }
0xaa: {  	[dreg:$0x4] =	wrdreg $0xC0  }
0xab: {  	_ =	task [dreg:s7], $0x5FFFF  }
0xac: {  	[dreg:$0x1] =	wrdreg $0xFFFFFFFF  }
0xad: {  	[dreg:$0x0] =	wrdreg $0x60  }
0xae: {  	[dreg:$0x2] =	wrdreg s24  }
0xaf: {  	[dreg:$0x3] =	wrdreg s2  }
0xb0: {  	[dreg:$0x4] =	wrdreg $0x9  }
0xb1: {  	_ =	task.clear_ibuf [dreg:s7], $0x5FFFF;
	_ =	strace $0x90000046  }
0xb2: {  	s29 =	simm.s32 $0x9;
	_ =	strace $0x80000048  }
0xb3: {  	_ =	swait.ge [sflag:s29], $0x1  }
0xb4: {  	[sflag:s29] =	ssyncadd.s32 $0xFFFFFFFF  }
0xb5: {  	_ =	strace $0x90000048  }
0xb6: {  	_ =	sfence  }
0xb7: {  	s30 =	sld [smem:$0x0];
	_ =	sdelay $0x2  }
0xb8: {  	s31 =	sshll.u32 s1, $0xD;
	s1 =	sshrl.u32 s1, $0x2  }
0xb9: {  	s3 =	sand.u32 $0x4000, s31;
	s1 =	sadd.s32 s1, s30  }
0xba: {  	s0 =	sor.u32 s3, s0;
	s1 =	sshll.u32 s1, $0x11  }
0xbb: {  	s0 =	sor.u32 s1, s0  }
0xbc: {  	s0 =	sadd.s32 $0x8F2B, s0  }
0xbd: {  	[sflag:s0] =	ssyncadd.remote.s32 $0x1  }
0xbe: {  	_ =	sfence.sel $0xFFFF  }
0xbf: {  	[dreg:$0x0] =	wrdreg $0xFFFFFFFF;
	(pc) =	sbr.abs _section_cstart, $3  }
0xc0: {  	[dreg:$0x1] =	wrdreg $0xFFFFFFFF  }
0xc1: {  	_ =	task.clear_ibuf [dreg:s7], $0x2FFFF;
	_ =	strace $0x9FFFFFFF  }
0xc2: {  	(tm) =	ssettm $0x7FFFFFFF  }
0xc3: {  	_ =	shalt  }
tec
execute0_lowered:
.L_overlay_start_1:
0x0: {  	(tag) =	ssettag $0x1  }
0x1: {  	s3 =	rddreg [dreg:$0x0]  }
0x2: {  	s7 =	rddreg [dreg:$0x1];
	s2 =	srdreg.scid  }
0x3: {  	s0 =	rddreg [dreg:$0x2];
	s1 =	stileid.u32  }
0x4: {  	s11 =	simm.s32 $0x100;
	s12 =	simm.s32 $0x200;
	s13 =	simm.s32 $0x3600  }
0x5: {  	s14 =	simm.s32 $0x5580;
	s15 =	simm.s32 $0x7500;
	s16 =	simm.s32 $0x9480  }
0x6: {  	s17 =	simm.s32 $0x1;
	s18 =	simm.s32 $0x2;
	s19 =	simm.s32 $0x3  }
0x7: {  	s20 =	simm.s32 $0x4;
	s21 =	simm.s32 $0x0;
	s5 =	sand.u32 $0x1, s2  }
0x8: {  	s4 =	sshrl.u32 s1, $0x2;
	s6 =	sshll.u32 s1, $0x8;
	s31 =	smul.u32 $0x1F400, s1  }
0x9: {  	s2 =	simm.s32 $0x0;
	s8 =	sshll.u32 s5, $0x7;
	s29 =	smul.u32 $0x1A000, s4  }
0xa: {  	[smem:$0x7FF] =	sst s2;
	s4 =	sshll.u32 s4, $0xB;
	s30 =	ssub.s32 $0x2, s5  }
0xb: {  	s10 =	smul.u32 $0xFA00, s5;
	s6 =	sor.u32 s8, s6;
	_ =	strace $0x80000047  }
0xc: {  	s9 =	sshrl.u32 s30, $0x1;
	s7 =	sadd.s32 s31, s7;
	s6 =	sand.u32 $0x380, s6  }
0xd: {  	s7 =	sadd.s32 s10, s7;
	s10 =	simm.s32 $0x5;
	s4 =	sor.u32 s4, s6  }
0xe: {  	s8 =	sor.u32 s29, s6;
	s6 =	ssub.s32 s30, s9;
	s4 =	sshrl.u32 s4, $0x3  }
0xf: {  	s9 =	simm.s32 $0x400;
	s8 =	sshrl.u32 s8, $0x3;
	s4 =	sadd.s32 s4, s3  }
0x10: {  	s6 =	smax.u32 s6, $0x1;
	s8 =	sadd.s32 s8, s3;
	s3 =	sadd.s32 $0xF200, s4  }
0x11: {  	v0 =	vimm.f32 $0.0e+00;
	s4 =	sadd.s32 $0x1E00, s4;
	s5 =	sadd.s32 $0x2200, s8;
	s8 =	simm.s32 $0x80  }
.LBB2_1:
0x12: {  	[tilespmem:s2], [sflag:$0x5] =	stream.strided.gather [hbm4b:s3+s8], $0x100, s9, s8, $0x38;
	[tilespmem:$0xB400] =	vst v63  }
0x13: {  	_ =	swait.ge [sflag:s10], $0x100  }
0x14: {  	[sflag:s10] =	ssyncset.done $0x0  }
0x15: {  	[sflag:s10] =	ssyncadd.s32 $0xFFFFFF00  }
0x16: {  	[tilespmem:s11], [sflag:$0x5] =	stream.strided.gather [hbm4b:s4+s8], $0x100, s9, s8, $0x38;
	[tilespmem:$0xB400] =	vst v63  }
0x17: {  	_ =	swait.ge [sflag:s10], $0x100  }
0x18: {  	[sflag:s10] =	ssyncset.done $0x0  }
0x19: {  	[sflag:s10] =	ssyncadd.s32 $0xFFFFFF00  }
0x1a: {  	[tilespmem:s12], [sflag:$0x5] =	stream.strided.gather [hbm4b:s5+s8], $0x3400, s9, s8, $0x38;
	[tilespmem:$0xB400] =	vst v63  }
0x1b: {  	_ =	swait.ge [sflag:s10], $0x3400  }
0x1c: {  	[sflag:s10] =	ssyncset.done $0x0  }
0x1d: {  	s22 =	simm.s32 $0x3640;
	[sflag:s10] =	ssyncadd.s32 $0xFFFFCC00  }
0x1e: {  	[tilespmem:s22+$0xFFFFFFC0] =	vst v0  }
0x1f: {  	[tilespmem:s22+$0x30] =	vst v0  }
0x20: {  	[tilespmem:s22+$0x20] =	vst v0  }
0x21: {  	[tilespmem:s22+$0x10] =	vst v0  }
0x22: {  	[tilespmem:s22+$0x0] =	vst v0  }
0x23: {  	[tilespmem:s22+$0xFFFFFFF0] =	vst v0  }
0x24: {  	s25 =	simm.s32 $0x0;
	s23 =	simm.s32 $0x5500;
	[tilespmem:s22+$0xFFFFFFE0] =	vst v0  }
.LBB2_2:
0x25: {  	s25 =	sadd.s32 $0x80, s25;
	[tilespmem:s22+$0xFFFFFFD0] =	vst v0;
	s22 =	sadd.s32 $0x80, s22;
	s24 =	simm.s32 $0x1EF0  }
0x26: {  	[tilespmem:s22+$0xFFFFFFC0] =	vst v0;
	p0 =	slt.u32 s25, $0x1E80  }
0x27: {  	[tilespmem:s22+$0x30] =	vst v0  }
.Ltmp0:
0x28: {  	[tilespmem:s22+$0x20] =	vst v0;
	(pc) =	sbr.rel @p0 .LBB2_2-.Ltmp0, $4  }
0x29: {  	[tilespmem:s22+$0x10] =	vst v0  }
0x2a: {  	[tilespmem:s22+$0x0] =	vst v0  }
0x2b: {  	[tilespmem:s22+$0xFFFFFFF0] =	vst v0  }
0x2c: {  	[tilespmem:s22+$0xFFFFFFE0] =	vst v0  }
0x2d: {  	[tilespmem:s22+$0xFFFFFFD0] =	vst v0  }
.LBB2_4:
0x2e: {  	s24 =	sadd.s32 $0x10, s24  }
0x2f: {  	p0 =	slt.u32 s24, $0x1F30  }
.Ltmp1:
0x30: {  	_ = 	snop;
	(pc) =	sbr.rel @p0 .LBB2_4-.Ltmp1, $2  }
0x31: {  	_ =	sdelay $0x2  }
0x32: {  	[tilespmem:s23+$0x0] =	vst v0;
	s23 =	sadd.s32 $0x10, s23;
	s25 =	simm.s32 $0xFFFFFF80;
	s22 =	simm.s32 $0x55C0  }
0x33: {  	[tilespmem:s22+$0xFFFFFFC0] =	vst v0  }
0x34: {  	[tilespmem:s22+$0x30] =	vst v0  }
0x35: {  	[tilespmem:s22+$0x20] =	vst v0  }
0x36: {  	[tilespmem:s22+$0x10] =	vst v0  }
0x37: {  	[tilespmem:s22+$0x0] =	vst v0  }
0x38: {  	[tilespmem:s22+$0xFFFFFFF0] =	vst v0  }
0x39: {  	s24 =	sadd.s32 $0x80, s25;
	[tilespmem:s22+$0xFFFFFFE0] =	vst v0;
	s23 =	simm.s32 $0x7480  }
.LBB2_6:
0x3a: {  	s24 =	sadd.s32 $0x80, s24;
	[tilespmem:s22+$0xFFFFFFD0] =	vst v0;
	s22 =	sadd.s32 $0x80, s22  }
0x3b: {  	[tilespmem:s22+$0xFFFFFFC0] =	vst v0;
	p0 =	slt.u32 s24, $0x1E80  }
0x3c: {  	[tilespmem:s22+$0x30] =	vst v0  }
.Ltmp2:
0x3d: {  	[tilespmem:s22+$0x20] =	vst v0;
	(pc) =	sbr.rel @p0 .LBB2_6-.Ltmp2, $4  }
0x3e: {  	[tilespmem:s22+$0x10] =	vst v0  }
0x3f: {  	[tilespmem:s22+$0x0] =	vst v0  }
0x40: {  	[tilespmem:s22+$0xFFFFFFF0] =	vst v0  }
0x41: {  	[tilespmem:s22+$0xFFFFFFE0] =	vst v0  }
0x42: {  	[tilespmem:s22+$0xFFFFFFD0] =	vst v0;
	s25 =	simm.s32 $0x1EF0  }
.LBB2_8:
0x43: {  	s25 =	sadd.s32 $0x10, s25  }
0x44: {  	p0 =	slt.u32 s25, $0x1F30  }
.Ltmp3:
0x45: {  	_ = 	snop;
	(pc) =	sbr.rel @p0 .LBB2_8-.Ltmp3, $2  }
0x46: {  	_ =	sdelay $0x2  }
0x47: {  	[tilespmem:s23+$0x0] =	vst v0;
	s23 =	sadd.s32 $0x10, s23;
	s24 =	simm.s32 $0xFFFFFF80;
	s22 =	simm.s32 $0x7540  }
0x48: {  	[tilespmem:s22+$0xFFFFFFC0] =	vst v0  }
0x49: {  	[tilespmem:s22+$0x30] =	vst v0  }
0x4a: {  	[tilespmem:s22+$0x20] =	vst v0  }
0x4b: {  	[tilespmem:s22+$0x10] =	vst v0  }
0x4c: {  	[tilespmem:s22+$0x0] =	vst v0  }
0x4d: {  	[tilespmem:s22+$0xFFFFFFF0] =	vst v0  }
0x4e: {  	s24 =	sadd.s32 $0x80, s24;
	[tilespmem:s22+$0xFFFFFFE0] =	vst v0;
	s23 =	simm.s32 $0x9400  }
.LBB2_10:
0x4f: {  	s24 =	sadd.s32 $0x80, s24;
	[tilespmem:s22+$0xFFFFFFD0] =	vst v0;
	s22 =	sadd.s32 $0x80, s22  }
0x50: {  	[tilespmem:s22+$0xFFFFFFC0] =	vst v0;
	p0 =	slt.u32 s24, $0x1E80  }
0x51: {  	[tilespmem:s22+$0x30] =	vst v0  }
.Ltmp4:
0x52: {  	[tilespmem:s22+$0x20] =	vst v0;
	(pc) =	sbr.rel @p0 .LBB2_10-.Ltmp4, $4  }
0x53: {  	[tilespmem:s22+$0x10] =	vst v0  }
0x54: {  	[tilespmem:s22+$0x0] =	vst v0  }
0x55: {  	[tilespmem:s22+$0xFFFFFFF0] =	vst v0  }
0x56: {  	[tilespmem:s22+$0xFFFFFFE0] =	vst v0  }
0x57: {  	[tilespmem:s22+$0xFFFFFFD0] =	vst v0;
	s25 =	simm.s32 $0x1EF0  }
.LBB2_12:
0x58: {  	s25 =	sadd.s32 $0x10, s25  }
0x59: {  	p0 =	slt.u32 s25, $0x1F30  }
.Ltmp5:
0x5a: {  	_ = 	snop;
	(pc) =	sbr.rel @p0 .LBB2_12-.Ltmp5, $2  }
0x5b: {  	_ =	sdelay $0x2  }
0x5c: {  	[tilespmem:s23+$0x0] =	vst v0;
	s23 =	sadd.s32 $0x10, s23;
	s24 =	simm.s32 $0xFFFFFF80;
	s22 =	simm.s32 $0x94C0  }
0x5d: {  	[tilespmem:s22+$0xFFFFFFC0] =	vst v0  }
0x5e: {  	[tilespmem:s22+$0x30] =	vst v0  }
0x5f: {  	[tilespmem:s22+$0x20] =	vst v0  }
0x60: {  	[tilespmem:s22+$0x10] =	vst v0  }
0x61: {  	[tilespmem:s22+$0x0] =	vst v0  }
0x62: {  	[tilespmem:s22+$0xFFFFFFF0] =	vst v0  }
0x63: {  	s23 =	sadd.s32 $0x80, s24;
	[tilespmem:s22+$0xFFFFFFE0] =	vst v0;
	s24 =	simm.s32 $0xB380  }
.LBB2_14:
0x64: {  	s23 =	sadd.s32 $0x80, s23;
	[tilespmem:s22+$0xFFFFFFD0] =	vst v0;
	s22 =	sadd.s32 $0x80, s22  }
0x65: {  	[tilespmem:s22+$0xFFFFFFC0] =	vst v0;
	p0 =	slt.u32 s23, $0x1E80  }
0x66: {  	[tilespmem:s22+$0x30] =	vst v0  }
.Ltmp6:
0x67: {  	[tilespmem:s22+$0x20] =	vst v0;
	(pc) =	sbr.rel @p0 .LBB2_14-.Ltmp6, $4  }
0x68: {  	[tilespmem:s22+$0x10] =	vst v0  }
0x69: {  	[tilespmem:s22+$0x0] =	vst v0  }
0x6a: {  	[tilespmem:s22+$0xFFFFFFF0] =	vst v0  }
0x6b: {  	[tilespmem:s22+$0xFFFFFFE0] =	vst v0  }
0x6c: {  	[tilespmem:s22+$0xFFFFFFD0] =	vst v0;
	s25 =	simm.s32 $0x1EF0  }
.LBB2_16:
0x6d: {  	s25 =	sadd.s32 $0x10, s25  }
0x6e: {  	p0 =	slt.u32 s25, $0x1F30  }
.Ltmp7:
0x6f: {  	_ = 	snop;
	(pc) =	sbr.rel @p0 .LBB2_16-.Ltmp7, $2  }
0x70: {  	_ =	sdelay $0x2  }
0x71: {  	[tilespmem:s24+$0x0] =	vst v0;
	s24 =	sadd.s32 $0x10, s24;
	s22 =	simm.s32 $0x0;
	s23 =	simm.s32 $0x3A0  }
0x72: {  	s24 =	smov.u32 s7  }
.LBB2_18:
0x73: {  	p0 =	seq.s32 s22, $0x0  }
0x74: {  	s25 =	simm.s32 @!p0 $0x1  }
0x75: {  	_ =	swait.ge @!p0 [sflag:s25], $0x1F40  }
0x76: {  	[sflag:s25] =	ssyncset.done @!p0 $0x0  }
0x77: {  	[sflag:s25] =	ssyncadd.s32 @!p0 $0xFFFFE0C0  }
0x78: {  	v1 =	vld [tilespmem:$0x0];
	_ =	sdelay $0x7  }
0x79: {  	[tilespmem:v1+s13+$0x0] =	vst.idx.msk $0xffff, v0  }
0x7a: {  	v1 =	vld [tilespmem:$0x10];
	_ =	sdelay $0x7  }
0x7b: {  	[tilespmem:v1+s13+$0x0] =	vst.idx.msk $0xffff, v0  }
0x7c: {  	v1 =	vld [tilespmem:$0x20];
	_ =	sdelay $0x7  }
0x7d: {  	[tilespmem:v1+s13+$0x0] =	vst.idx.msk $0xffff, v0  }
0x7e: {  	v1 =	vld [tilespmem:$0x30];
	_ =	sdelay $0x7  }
0x7f: {  	[tilespmem:v1+s13+$0x0] =	vst.idx.msk $0xffff, v0  }
0x80: {  	v1 =	vld [tilespmem:$0x40];
	_ =	sdelay $0x7  }
0x81: {  	[tilespmem:v1+s13+$0x0] =	vst.idx.msk $0xffff, v0  }
0x82: {  	v1 =	vld [tilespmem:$0x50];
	_ =	sdelay $0x7  }
0x83: {  	[tilespmem:v1+s13+$0x0] =	vst.idx.msk $0xffff, v0  }
0x84: {  	v1 =	vld [tilespmem:$0x60];
	_ =	sdelay $0x7  }
0x85: {  	[tilespmem:v1+s13+$0x0] =	vst.idx.msk $0xffff, v0  }
0x86: {  	v1 =	vld [tilespmem:$0x70];
	_ =	sdelay $0x7  }
0x87: {  	[tilespmem:v1+s13+$0x0] =	vst.idx.msk $0xffff, v0  }
0x88: {  	v1 =	vld [tilespmem:$0x80];
	_ =	sdelay $0x7  }
0x89: {  	[tilespmem:v1+s13+$0x0] =	vst.idx.msk $0xffff, v0  }
0x8a: {  	v1 =	vld [tilespmem:$0x90];
	_ =	sdelay $0x7  }
0x8b: {  	[tilespmem:v1+s13+$0x0] =	vst.idx.msk $0xffff, v0  }
0x8c: {  	v1 =	vld [tilespmem:$0xA0];
	_ =	sdelay $0x7  }
0x8d: {  	[tilespmem:v1+s13+$0x0] =	vst.idx.msk $0xffff, v0  }
0x8e: {  	v1 =	vld [tilespmem:$0xB0];
	_ =	sdelay $0x7  }
0x8f: {  	[tilespmem:v1+s13+$0x0] =	vst.idx.msk $0xffff, v0  }
0x90: {  	v1 =	vld [tilespmem:$0xC0];
	_ =	sdelay $0x7  }
0x91: {  	[tilespmem:v1+s13+$0x0] =	vst.idx.msk $0xffff, v0  }
0x92: {  	v1 =	vld [tilespmem:$0x0]  }
0x93: {  	v2 =	vld [tilespmem:s23+$0xFFFFFE60]  }
0x94: {  	v3 =	vld [tilespmem:$0x100];
	_ =	sdelay $0x4  }
0x95: {  	v2 =	vmul.f32 v3, v2;
	_ =	sdelay $0x1  }
0x96: {  	[tilespmem:v1+s13+$0x0] =	vst.idx.add.f32.msk $0xffff, v2  }
0x97: {  	v1 =	vld [tilespmem:$0x10]  }
0x98: {  	v2 =	vld [tilespmem:s23+$0xFFFFFE70]  }
0x99: {  	v3 =	vld [tilespmem:$0x110];
	_ =	sdelay $0x4  }
0x9a: {  	v2 =	vmul.f32 v3, v2;
	_ =	sdelay $0x1  }
0x9b: {  	[tilespmem:v1+s13+$0x0] =	vst.idx.add.f32.msk $0xffff, v2  }
0x9c: {  	v1 =	vld [tilespmem:$0x20]  }
0x9d: {  	v2 =	vld [tilespmem:s23+$0xFFFFFE80]  }
0x9e: {  	v3 =	vld [tilespmem:$0x120];
	_ =	sdelay $0x4  }
0x9f: {  	v2 =	vmul.f32 v3, v2;
	_ =	sdelay $0x1  }
0xa0: {  	[tilespmem:v1+s13+$0x0] =	vst.idx.add.f32.msk $0xffff, v2  }
0xa1: {  	v1 =	vld [tilespmem:$0x30]  }
0xa2: {  	v2 =	vld [tilespmem:s23+$0xFFFFFE90]  }
0xa3: {  	v3 =	vld [tilespmem:$0x130];
	_ =	sdelay $0x4  }
0xa4: {  	v2 =	vmul.f32 v3, v2;
	_ =	sdelay $0x1  }
0xa5: {  	[tilespmem:v1+s13+$0x0] =	vst.idx.add.f32.msk $0xffff, v2  }
0xa6: {  	v1 =	vld [tilespmem:$0x40]  }
0xa7: {  	v2 =	vld [tilespmem:s23+$0xFFFFFEA0]  }
0xa8: {  	v3 =	vld [tilespmem:$0x140];
	_ =	sdelay $0x4  }
0xa9: {  	v2 =	vmul.f32 v3, v2;
	_ =	sdelay $0x1  }
0xaa: {  	[tilespmem:v1+s13+$0x0] =	vst.idx.add.f32.msk $0xffff, v2  }
0xab: {  	v1 =	vld [tilespmem:$0x50]  }
0xac: {  	v2 =	vld [tilespmem:s23+$0xFFFFFEB0]  }
0xad: {  	v3 =	vld [tilespmem:$0x150];
	_ =	sdelay $0x4  }
0xae: {  	v2 =	vmul.f32 v3, v2;
	_ =	sdelay $0x1  }
0xaf: {  	[tilespmem:v1+s13+$0x0] =	vst.idx.add.f32.msk $0xffff, v2  }
0xb0: {  	v1 =	vld [tilespmem:$0x60]  }
0xb1: {  	v2 =	vld [tilespmem:s23+$0xFFFFFEC0]  }
0xb2: {  	v3 =	vld [tilespmem:$0x160];
	_ =	sdelay $0x4  }
0xb3: {  	v2 =	vmul.f32 v3, v2;
	_ =	sdelay $0x1  }
0xb4: {  	[tilespmem:v1+s13+$0x0] =	vst.idx.add.f32.msk $0xffff, v2  }
0xb5: {  	v1 =	vld [tilespmem:$0x70]  }
0xb6: {  	v2 =	vld [tilespmem:s23+$0xFFFFFED0]  }
0xb7: {  	v3 =	vld [tilespmem:$0x170];
	_ =	sdelay $0x4  }
0xb8: {  	v2 =	vmul.f32 v3, v2;
	_ =	sdelay $0x1  }
0xb9: {  	[tilespmem:v1+s13+$0x0] =	vst.idx.add.f32.msk $0xffff, v2  }
0xba: {  	s30 =	sand.u32 $0x3FC0, s22;
	v1 =	vld [tilespmem:$0x80]  }
0xbb: {  	v2 =	vld [tilespmem:s30+$0x280]  }
0xbc: {  	v3 =	vld [tilespmem:$0x180];
	_ =	sdelay $0x4  }
0xbd: {  	v2 =	vmul.f32 v3, v2;
	_ =	sdelay $0x1  }
0xbe: {  	[tilespmem:v1+s13+$0x0] =	vst.idx.add.f32.msk $0xffff, v2  }
0xbf: {  	v1 =	vld [tilespmem:$0x90]  }
0xc0: {  	v2 =	vld [tilespmem:s23+$0xFFFFFEF0]  }
0xc1: {  	v3 =	vld [tilespmem:$0x190];
	_ =	sdelay $0x4  }
0xc2: {  	v2 =	vmul.f32 v3, v2;
	_ =	sdelay $0x1  }
0xc3: {  	[tilespmem:v1+s13+$0x0] =	vst.idx.add.f32.msk $0xffff, v2  }
0xc4: {  	v1 =	vld [tilespmem:$0xA0]  }
0xc5: {  	v2 =	vld [tilespmem:s23+$0xFFFFFF00]  }
0xc6: {  	v3 =	vld [tilespmem:$0x1A0];
	_ =	sdelay $0x4  }
0xc7: {  	v2 =	vmul.f32 v3, v2;
	_ =	sdelay $0x1  }
0xc8: {  	[tilespmem:v1+s13+$0x0] =	vst.idx.add.f32.msk $0xffff, v2  }
0xc9: {  	v1 =	vld [tilespmem:$0xB0]  }
0xca: {  	v2 =	vld [tilespmem:s23+$0xFFFFFF10]  }
0xcb: {  	v3 =	vld [tilespmem:$0x1B0];
	_ =	sdelay $0x4  }
0xcc: {  	v2 =	vmul.f32 v3, v2;
	_ =	sdelay $0x1  }
0xcd: {  	[tilespmem:v1+s13+$0x0] =	vst.idx.add.f32.msk $0xffff, v2  }
0xce: {  	v1 =	vld [tilespmem:$0xC0]  }
0xcf: {  	v2 =	vld [tilespmem:s23+$0xFFFFFF20]  }
0xd0: {  	v3 =	vld [tilespmem:$0x1C0];
	_ =	sdelay $0x4  }
0xd1: {  	v2 =	vmul.f32 v3, v2;
	_ =	sdelay $0x1  }
0xd2: {  	s25 =	simm.s32 @!p0 $0x2;
	[tilespmem:v1+s13+$0x0] =	vst.idx.add.f32.msk $0xffff, v2  }
0xd3: {  	[hbm4b:s24+s2] =	stream.linear.scatter [tilespmem:s13], [sflag:$0x1], $0x1F40, $0x38;
	[tilespmem:$0xB400] =	vst v63  }
0xd4: {  	_ =	swait.ge @!p0 [sflag:s25], $0x1F40  }
0xd5: {  	[sflag:s25] =	ssyncset.done @!p0 $0x0  }
0xd6: {  	[sflag:s25] =	ssyncadd.s32 @!p0 $0xFFFFE0C0  }
0xd7: {  	v1 =	vld [tilespmem:$0x0];
	_ =	sdelay $0x7  }
0xd8: {  	[tilespmem:v1+s14+$0x0] =	vst.idx.msk $0xffff, v0  }
0xd9: {  	v1 =	vld [tilespmem:$0x10];
	_ =	sdelay $0x7  }
0xda: {  	[tilespmem:v1+s14+$0x0] =	vst.idx.msk $0xffff, v0  }
0xdb: {  	v1 =	vld [tilespmem:$0x20];
	_ =	sdelay $0x7  }
0xdc: {  	[tilespmem:v1+s14+$0x0] =	vst.idx.msk $0xffff, v0  }
0xdd: {  	v1 =	vld [tilespmem:$0x30];
	_ =	sdelay $0x7  }
0xde: {  	[tilespmem:v1+s14+$0x0] =	vst.idx.msk $0xffff, v0  }
0xdf: {  	v1 =	vld [tilespmem:$0x40];
	_ =	sdelay $0x7  }
0xe0: {  	[tilespmem:v1+s14+$0x0] =	vst.idx.msk $0xffff, v0  }
0xe1: {  	v1 =	vld [tilespmem:$0x50];
	_ =	sdelay $0x7  }
0xe2: {  	[tilespmem:v1+s14+$0x0] =	vst.idx.msk $0xffff, v0  }
0xe3: {  	v1 =	vld [tilespmem:$0x60];
	_ =	sdelay $0x7  }
0xe4: {  	[tilespmem:v1+s14+$0x0] =	vst.idx.msk $0xffff, v0  }
0xe5: {  	v1 =	vld [tilespmem:$0x70];
	_ =	sdelay $0x7  }
0xe6: {  	[tilespmem:v1+s14+$0x0] =	vst.idx.msk $0xffff, v0  }
0xe7: {  	v1 =	vld [tilespmem:$0x80];
	_ =	sdelay $0x7  }
0xe8: {  	[tilespmem:v1+s14+$0x0] =	vst.idx.msk $0xffff, v0  }
0xe9: {  	v1 =	vld [tilespmem:$0x90];
	_ =	sdelay $0x7  }
0xea: {  	[tilespmem:v1+s14+$0x0] =	vst.idx.msk $0xffff, v0  }
0xeb: {  	v1 =	vld [tilespmem:$0xA0];
	_ =	sdelay $0x7  }
0xec: {  	[tilespmem:v1+s14+$0x0] =	vst.idx.msk $0xffff, v0  }
0xed: {  	v1 =	vld [tilespmem:$0xB0];
	_ =	sdelay $0x7  }
0xee: {  	[tilespmem:v1+s14+$0x0] =	vst.idx.msk $0xffff, v0  }
0xef: {  	v1 =	vld [tilespmem:$0xC0];
	_ =	sdelay $0x7  }
0xf0: {  	[tilespmem:v1+s14+$0x0] =	vst.idx.msk $0xffff, v0  }
0xf1: {  	v1 =	vld [tilespmem:$0x0]  }
0xf2: {  	v2 =	vld [tilespmem:s23+$0xFFFFFF30]  }
0xf3: {  	v3 =	vld [tilespmem:$0x100];
	_ =	sdelay $0x4  }
0xf4: {  	v2 =	vmul.f32 v3, v2;
	_ =	sdelay $0x1  }
0xf5: {  	[tilespmem:v1+s14+$0x0] =	vst.idx.add.f32.msk $0xffff, v2  }
0xf6: {  	v1 =	vld [tilespmem:$0x10]  }
0xf7: {  	v2 =	vld [tilespmem:s23+$0xFFFFFF40]  }
0xf8: {  	v3 =	vld [tilespmem:$0x110];
	_ =	sdelay $0x4  }
0xf9: {  	v2 =	vmul.f32 v3, v2;
	_ =	sdelay $0x1  }
0xfa: {  	[tilespmem:v1+s14+$0x0] =	vst.idx.add.f32.msk $0xffff, v2  }
0xfb: {  	v1 =	vld [tilespmem:$0x20]  }
0xfc: {  	v2 =	vld [tilespmem:s23+$0xFFFFFF50]  }
0xfd: {  	v3 =	vld [tilespmem:$0x120];
	_ =	sdelay $0x4  }
0xfe: {  	v2 =	vmul.f32 v3, v2;
	_ =	sdelay $0x1  }
0xff: {  	[tilespmem:v1+s14+$0x0] =	vst.idx.add.f32.msk $0xffff, v2  }
0x100: {  	v1 =	vld [tilespmem:$0x30]  }
0x101: {  	v2 =	vld [tilespmem:s23+$0xFFFFFF60]  }
0x102: {  	v3 =	vld [tilespmem:$0x130];
	_ =	sdelay $0x4  }
0x103: {  	v2 =	vmul.f32 v3, v2;
	_ =	sdelay $0x1  }
0x104: {  	[tilespmem:v1+s14+$0x0] =	vst.idx.add.f32.msk $0xffff, v2  }
0x105: {  	v1 =	vld [tilespmem:$0x40]  }
0x106: {  	v2 =	vld [tilespmem:s23+$0xFFFFFF70]  }
0x107: {  	v3 =	vld [tilespmem:$0x140];
	_ =	sdelay $0x4  }
0x108: {  	v2 =	vmul.f32 v3, v2;
	_ =	sdelay $0x1  }
0x109: {  	[tilespmem:v1+s14+$0x0] =	vst.idx.add.f32.msk $0xffff, v2  }
0x10a: {  	v1 =	vld [tilespmem:$0x50]  }
0x10b: {  	v2 =	vld [tilespmem:s23+$0xFFFFFF80]  }
0x10c: {  	v3 =	vld [tilespmem:$0x150];
	_ =	sdelay $0x4  }
0x10d: {  	v2 =	vmul.f32 v3, v2;
	_ =	sdelay $0x1  }
0x10e: {  	[tilespmem:v1+s14+$0x0] =	vst.idx.add.f32.msk $0xffff, v2  }
0x10f: {  	v1 =	vld [tilespmem:$0x60]  }
0x110: {  	v2 =	vld [tilespmem:s23+$0xFFFFFF90]  }
0x111: {  	v3 =	vld [tilespmem:$0x160];
	_ =	sdelay $0x4  }
0x112: {  	v2 =	vmul.f32 v3, v2;
	_ =	sdelay $0x1  }
0x113: {  	[tilespmem:v1+s14+$0x0] =	vst.idx.add.f32.msk $0xffff, v2  }
0x114: {  	v1 =	vld [tilespmem:$0x70]  }
0x115: {  	v2 =	vld [tilespmem:s23+$0xFFFFFFA0]  }
0x116: {  	v3 =	vld [tilespmem:$0x170];
	_ =	sdelay $0x4  }
0x117: {  	v2 =	vmul.f32 v3, v2;
	_ =	sdelay $0x1  }
0x118: {  	s31 =	sadd.s32 $0xD0, s22;
	[tilespmem:v1+s14+$0x0] =	vst.idx.add.f32.msk $0xffff, v2  }
0x119: {  	s25 =	sand.u32 $0x3FD0, s31;
	v1 =	vld [tilespmem:$0x80]  }
0x11a: {  	v2 =	vld [tilespmem:s25+$0x280]  }
0x11b: {  	v3 =	vld [tilespmem:$0x180];
	_ =	sdelay $0x4  }
0x11c: {  	v2 =	vmul.f32 v3, v2;
	_ =	sdelay $0x1  }
0x11d: {  	[tilespmem:v1+s14+$0x0] =	vst.idx.add.f32.msk $0xffff, v2  }
0x11e: {  	v1 =	vld [tilespmem:$0x90]  }
0x11f: {  	v2 =	vld [tilespmem:s23+$0xFFFFFFC0]  }
0x120: {  	v3 =	vld [tilespmem:$0x190];
	_ =	sdelay $0x4  }
0x121: {  	v2 =	vmul.f32 v3, v2;
	_ =	sdelay $0x1  }
0x122: {  	[tilespmem:v1+s14+$0x0] =	vst.idx.add.f32.msk $0xffff, v2  }
0x123: {  	v1 =	vld [tilespmem:$0xA0]  }
0x124: {  	v2 =	vld [tilespmem:s23+$0xFFFFFFD0]  }
0x125: {  	v3 =	vld [tilespmem:$0x1A0];
	_ =	sdelay $0x4  }
0x126: {  	v2 =	vmul.f32 v3, v2;
	_ =	sdelay $0x1  }
0x127: {  	[tilespmem:v1+s14+$0x0] =	vst.idx.add.f32.msk $0xffff, v2  }
0x128: {  	v1 =	vld [tilespmem:$0xB0]  }
0x129: {  	v2 =	vld [tilespmem:s23+$0xFFFFFFE0]  }
0x12a: {  	v3 =	vld [tilespmem:$0x1B0];
	_ =	sdelay $0x4  }
0x12b: {  	v2 =	vmul.f32 v3, v2;
	_ =	sdelay $0x1  }
0x12c: {  	[tilespmem:v1+s14+$0x0] =	vst.idx.add.f32.msk $0xffff, v2  }
0x12d: {  	v1 =	vld [tilespmem:$0xC0]  }
0x12e: {  	v2 =	vld [tilespmem:s23+$0xFFFFFFF0]  }
0x12f: {  	v3 =	vld [tilespmem:$0x1C0];
	_ =	sdelay $0x4  }
0x130: {  	v2 =	vmul.f32 v3, v2;
	_ =	sdelay $0x1  }
0x131: {  	s26 =	sadd.s32 $0x3E8, s24;
	s25 =	simm.s32 @!p0 $0x3;
	[tilespmem:v1+s14+$0x0] =	vst.idx.add.f32.msk $0xffff, v2  }
0x132: {  	[hbm4b:s26+s2] =	stream.linear.scatter [tilespmem:s14], [sflag:$0x2], $0x1F40, $0x38;
	[tilespmem:$0xB400] =	vst v63  }
0x133: {  	_ =	swait.ge @!p0 [sflag:s25], $0x1F40  }
0x134: {  	[sflag:s25] =	ssyncset.done @!p0 $0x0  }
0x135: {  	[sflag:s25] =	ssyncadd.s32 @!p0 $0xFFFFE0C0  }
0x136: {  	v1 =	vld [tilespmem:$0x0];
	_ =	sdelay $0x7  }
0x137: {  	[tilespmem:v1+s15+$0x0] =	vst.idx.msk $0xffff, v0  }
0x138: {  	v1 =	vld [tilespmem:$0x10];
	_ =	sdelay $0x7  }
0x139: {  	[tilespmem:v1+s15+$0x0] =	vst.idx.msk $0xffff, v0  }
0x13a: {  	v1 =	vld [tilespmem:$0x20];
	_ =	sdelay $0x7  }
0x13b: {  	[tilespmem:v1+s15+$0x0] =	vst.idx.msk $0xffff, v0  }
0x13c: {  	v1 =	vld [tilespmem:$0x30];
	_ =	sdelay $0x7  }
0x13d: {  	[tilespmem:v1+s15+$0x0] =	vst.idx.msk $0xffff, v0  }
0x13e: {  	v1 =	vld [tilespmem:$0x40];
	_ =	sdelay $0x7  }
0x13f: {  	[tilespmem:v1+s15+$0x0] =	vst.idx.msk $0xffff, v0  }
0x140: {  	v1 =	vld [tilespmem:$0x50];
	_ =	sdelay $0x7  }
0x141: {  	[tilespmem:v1+s15+$0x0] =	vst.idx.msk $0xffff, v0  }
0x142: {  	v1 =	vld [tilespmem:$0x60];
	_ =	sdelay $0x7  }
0x143: {  	[tilespmem:v1+s15+$0x0] =	vst.idx.msk $0xffff, v0  }
0x144: {  	v1 =	vld [tilespmem:$0x70];
	_ =	sdelay $0x7  }
0x145: {  	[tilespmem:v1+s15+$0x0] =	vst.idx.msk $0xffff, v0  }
0x146: {  	v1 =	vld [tilespmem:$0x80];
	_ =	sdelay $0x7  }
0x147: {  	[tilespmem:v1+s15+$0x0] =	vst.idx.msk $0xffff, v0  }
0x148: {  	v1 =	vld [tilespmem:$0x90];
	_ =	sdelay $0x7  }
0x149: {  	[tilespmem:v1+s15+$0x0] =	vst.idx.msk $0xffff, v0  }
0x14a: {  	v1 =	vld [tilespmem:$0xA0];
	_ =	sdelay $0x7  }
0x14b: {  	[tilespmem:v1+s15+$0x0] =	vst.idx.msk $0xffff, v0  }
0x14c: {  	v1 =	vld [tilespmem:$0xB0];
	_ =	sdelay $0x7  }
0x14d: {  	[tilespmem:v1+s15+$0x0] =	vst.idx.msk $0xffff, v0  }
0x14e: {  	v1 =	vld [tilespmem:$0xC0];
	_ =	sdelay $0x7  }
0x14f: {  	[tilespmem:v1+s15+$0x0] =	vst.idx.msk $0xffff, v0  }
0x150: {  	v1 =	vld [tilespmem:$0x0]  }
0x151: {  	v2 =	vld [tilespmem:s23+$0x0]  }
0x152: {  	v3 =	vld [tilespmem:$0x100];
	_ =	sdelay $0x4  }
0x153: {  	v2 =	vmul.f32 v3, v2;
	_ =	sdelay $0x1  }
0x154: {  	[tilespmem:v1+s15+$0x0] =	vst.idx.add.f32.msk $0xffff, v2  }
0x155: {  	v1 =	vld [tilespmem:$0x10]  }
0x156: {  	v2 =	vld [tilespmem:s23+$0x10]  }
0x157: {  	v3 =	vld [tilespmem:$0x110];
	_ =	sdelay $0x4  }
0x158: {  	v2 =	vmul.f32 v3, v2;
	_ =	sdelay $0x1  }
0x159: {  	[tilespmem:v1+s15+$0x0] =	vst.idx.add.f32.msk $0xffff, v2  }
0x15a: {  	v1 =	vld [tilespmem:$0x20]  }
0x15b: {  	v2 =	vld [tilespmem:s23+$0x20]  }
0x15c: {  	v3 =	vld [tilespmem:$0x120];
	_ =	sdelay $0x4  }
0x15d: {  	v2 =	vmul.f32 v3, v2;
	_ =	sdelay $0x1  }
0x15e: {  	[tilespmem:v1+s15+$0x0] =	vst.idx.add.f32.msk $0xffff, v2  }
0x15f: {  	v1 =	vld [tilespmem:$0x30]  }
0x160: {  	v2 =	vld [tilespmem:s23+$0x30]  }
0x161: {  	v3 =	vld [tilespmem:$0x130];
	_ =	sdelay $0x4  }
0x162: {  	v2 =	vmul.f32 v3, v2;
	_ =	sdelay $0x1  }
0x163: {  	[tilespmem:v1+s15+$0x0] =	vst.idx.add.f32.msk $0xffff, v2  }
0x164: {  	v1 =	vld [tilespmem:$0x40]  }
0x165: {  	v2 =	vld [tilespmem:s23+$0x40]  }
0x166: {  	v3 =	vld [tilespmem:$0x140];
	_ =	sdelay $0x4  }
0x167: {  	v2 =	vmul.f32 v3, v2;
	_ =	sdelay $0x1  }
0x168: {  	[tilespmem:v1+s15+$0x0] =	vst.idx.add.f32.msk $0xffff, v2  }
0x169: {  	v1 =	vld [tilespmem:$0x50]  }
0x16a: {  	v2 =	vld [tilespmem:s23+$0x50]  }
0x16b: {  	v3 =	vld [tilespmem:$0x150];
	_ =	sdelay $0x4  }
0x16c: {  	v2 =	vmul.f32 v3, v2;
	_ =	sdelay $0x1  }
0x16d: {  	[tilespmem:v1+s15+$0x0] =	vst.idx.add.f32.msk $0xffff, v2  }
0x16e: {  	v1 =	vld [tilespmem:$0x60]  }
0x16f: {  	v2 =	vld [tilespmem:s23+$0x60]  }
0x170: {  	v3 =	vld [tilespmem:$0x160];
	_ =	sdelay $0x4  }
0x171: {  	v2 =	vmul.f32 v3, v2;
	_ =	sdelay $0x1  }
0x172: {  	[tilespmem:v1+s15+$0x0] =	vst.idx.add.f32.msk $0xffff, v2  }
0x173: {  	v1 =	vld [tilespmem:$0x70]  }
0x174: {  	v2 =	vld [tilespmem:s23+$0x70]  }
0x175: {  	v3 =	vld [tilespmem:$0x170];
	_ =	sdelay $0x4  }
0x176: {  	v2 =	vmul.f32 v3, v2;
	_ =	sdelay $0x1  }
0x177: {  	s28 =	sadd.s32 $0x1A0, s22;
	[tilespmem:v1+s15+$0x0] =	vst.idx.add.f32.msk $0xffff, v2  }
0x178: {  	s25 =	sand.u32 $0x3FE0, s28;
	v1 =	vld [tilespmem:$0x80]  }
0x179: {  	v2 =	vld [tilespmem:s25+$0x280]  }
0x17a: {  	v3 =	vld [tilespmem:$0x180];
	_ =	sdelay $0x4  }
0x17b: {  	v2 =	vmul.f32 v3, v2;
	_ =	sdelay $0x1  }
0x17c: {  	[tilespmem:v1+s15+$0x0] =	vst.idx.add.f32.msk $0xffff, v2  }
0x17d: {  	v1 =	vld [tilespmem:$0x90]  }
0x17e: {  	v2 =	vld [tilespmem:s23+$0x90]  }
0x17f: {  	v3 =	vld [tilespmem:$0x190];
	_ =	sdelay $0x4  }
0x180: {  	v2 =	vmul.f32 v3, v2;
	_ =	sdelay $0x1  }
0x181: {  	[tilespmem:v1+s15+$0x0] =	vst.idx.add.f32.msk $0xffff, v2  }
0x182: {  	v1 =	vld [tilespmem:$0xA0]  }
0x183: {  	v2 =	vld [tilespmem:s23+$0xA0]  }
0x184: {  	v3 =	vld [tilespmem:$0x1A0];
	_ =	sdelay $0x4  }
0x185: {  	v2 =	vmul.f32 v3, v2;
	_ =	sdelay $0x1  }
0x186: {  	[tilespmem:v1+s15+$0x0] =	vst.idx.add.f32.msk $0xffff, v2  }
0x187: {  	v1 =	vld [tilespmem:$0xB0]  }
0x188: {  	v2 =	vld [tilespmem:s23+$0xB0]  }
0x189: {  	v3 =	vld [tilespmem:$0x1B0];
	_ =	sdelay $0x4  }
0x18a: {  	v2 =	vmul.f32 v3, v2;
	_ =	sdelay $0x1  }
0x18b: {  	[tilespmem:v1+s15+$0x0] =	vst.idx.add.f32.msk $0xffff, v2  }
0x18c: {  	v1 =	vld [tilespmem:$0xC0]  }
0x18d: {  	v2 =	vld [tilespmem:s23+$0xC0]  }
0x18e: {  	v3 =	vld [tilespmem:$0x1C0];
	_ =	sdelay $0x4  }
0x18f: {  	v2 =	vmul.f32 v3, v2;
	_ =	sdelay $0x1  }
0x190: {  	s29 =	sadd.s32 $0x7D0, s24;
	s25 =	simm.s32 @!p0 $0x4;
	[tilespmem:v1+s15+$0x0] =	vst.idx.add.f32.msk $0xffff, v2  }
0x191: {  	[hbm4b:s29+s2] =	stream.linear.scatter [tilespmem:s15], [sflag:$0x3], $0x1F40, $0x38;
	[tilespmem:$0xB400] =	vst v63  }
0x192: {  	_ =	swait.ge @!p0 [sflag:s25], $0x1F40  }
0x193: {  	[sflag:s25] =	ssyncset.done @!p0 $0x0  }
0x194: {  	[sflag:s25] =	ssyncadd.s32 @!p0 $0xFFFFE0C0  }
0x195: {  	v1 =	vld [tilespmem:$0x0];
	_ =	sdelay $0x7  }
0x196: {  	[tilespmem:v1+s16+$0x0] =	vst.idx.msk $0xffff, v0  }
0x197: {  	v1 =	vld [tilespmem:$0x10];
	_ =	sdelay $0x7  }
0x198: {  	[tilespmem:v1+s16+$0x0] =	vst.idx.msk $0xffff, v0  }
0x199: {  	v1 =	vld [tilespmem:$0x20];
	_ =	sdelay $0x7  }
0x19a: {  	[tilespmem:v1+s16+$0x0] =	vst.idx.msk $0xffff, v0  }
0x19b: {  	v1 =	vld [tilespmem:$0x30];
	_ =	sdelay $0x7  }
0x19c: {  	[tilespmem:v1+s16+$0x0] =	vst.idx.msk $0xffff, v0  }
0x19d: {  	v1 =	vld [tilespmem:$0x40];
	_ =	sdelay $0x7  }
0x19e: {  	[tilespmem:v1+s16+$0x0] =	vst.idx.msk $0xffff, v0  }
0x19f: {  	v1 =	vld [tilespmem:$0x50];
	_ =	sdelay $0x7  }
0x1a0: {  	[tilespmem:v1+s16+$0x0] =	vst.idx.msk $0xffff, v0  }
0x1a1: {  	v1 =	vld [tilespmem:$0x60];
	_ =	sdelay $0x7  }
0x1a2: {  	[tilespmem:v1+s16+$0x0] =	vst.idx.msk $0xffff, v0  }
0x1a3: {  	v1 =	vld [tilespmem:$0x70];
	_ =	sdelay $0x7  }
0x1a4: {  	[tilespmem:v1+s16+$0x0] =	vst.idx.msk $0xffff, v0  }
0x1a5: {  	v1 =	vld [tilespmem:$0x80];
	_ =	sdelay $0x7  }
0x1a6: {  	[tilespmem:v1+s16+$0x0] =	vst.idx.msk $0xffff, v0  }
0x1a7: {  	v1 =	vld [tilespmem:$0x90];
	_ =	sdelay $0x7  }
0x1a8: {  	[tilespmem:v1+s16+$0x0] =	vst.idx.msk $0xffff, v0  }
0x1a9: {  	v1 =	vld [tilespmem:$0xA0];
	_ =	sdelay $0x7  }
0x1aa: {  	[tilespmem:v1+s16+$0x0] =	vst.idx.msk $0xffff, v0  }
0x1ab: {  	v1 =	vld [tilespmem:$0xB0];
	_ =	sdelay $0x7  }
0x1ac: {  	[tilespmem:v1+s16+$0x0] =	vst.idx.msk $0xffff, v0  }
0x1ad: {  	v1 =	vld [tilespmem:$0xC0];
	_ =	sdelay $0x7  }
0x1ae: {  	[tilespmem:v1+s16+$0x0] =	vst.idx.msk $0xffff, v0  }
0x1af: {  	v1 =	vld [tilespmem:$0x0]  }
0x1b0: {  	v2 =	vld [tilespmem:s23+$0xD0]  }
0x1b1: {  	v3 =	vld [tilespmem:$0x100];
	_ =	sdelay $0x4  }
0x1b2: {  	v2 =	vmul.f32 v3, v2;
	_ =	sdelay $0x1  }
0x1b3: {  	[tilespmem:v1+s16+$0x0] =	vst.idx.add.f32.msk $0xffff, v2  }
0x1b4: {  	v1 =	vld [tilespmem:$0x10]  }
0x1b5: {  	v2 =	vld [tilespmem:s23+$0xE0]  }
0x1b6: {  	v3 =	vld [tilespmem:$0x110];
	_ =	sdelay $0x4  }
0x1b7: {  	v2 =	vmul.f32 v3, v2;
	_ =	sdelay $0x1  }
0x1b8: {  	[tilespmem:v1+s16+$0x0] =	vst.idx.add.f32.msk $0xffff, v2  }
0x1b9: {  	v1 =	vld [tilespmem:$0x20]  }
0x1ba: {  	v2 =	vld [tilespmem:s23+$0xF0]  }
0x1bb: {  	v3 =	vld [tilespmem:$0x120];
	_ =	sdelay $0x4  }
0x1bc: {  	v2 =	vmul.f32 v3, v2;
	_ =	sdelay $0x1  }
0x1bd: {  	[tilespmem:v1+s16+$0x0] =	vst.idx.add.f32.msk $0xffff, v2  }
0x1be: {  	v1 =	vld [tilespmem:$0x30]  }
0x1bf: {  	v2 =	vld [tilespmem:s23+$0x100]  }
0x1c0: {  	v3 =	vld [tilespmem:$0x130];
	_ =	sdelay $0x4  }
0x1c1: {  	v2 =	vmul.f32 v3, v2;
	_ =	sdelay $0x1  }
0x1c2: {  	[tilespmem:v1+s16+$0x0] =	vst.idx.add.f32.msk $0xffff, v2  }
0x1c3: {  	v1 =	vld [tilespmem:$0x40]  }
0x1c4: {  	v2 =	vld [tilespmem:s23+$0x110]  }
0x1c5: {  	v3 =	vld [tilespmem:$0x140];
	_ =	sdelay $0x4  }
0x1c6: {  	v2 =	vmul.f32 v3, v2;
	_ =	sdelay $0x1  }
0x1c7: {  	[tilespmem:v1+s16+$0x0] =	vst.idx.add.f32.msk $0xffff, v2  }
0x1c8: {  	v1 =	vld [tilespmem:$0x50]  }
0x1c9: {  	v2 =	vld [tilespmem:s23+$0x120]  }
0x1ca: {  	v3 =	vld [tilespmem:$0x150];
	_ =	sdelay $0x4  }
0x1cb: {  	v2 =	vmul.f32 v3, v2;
	_ =	sdelay $0x1  }
0x1cc: {  	[tilespmem:v1+s16+$0x0] =	vst.idx.add.f32.msk $0xffff, v2  }
0x1cd: {  	v1 =	vld [tilespmem:$0x60]  }
0x1ce: {  	v2 =	vld [tilespmem:s23+$0x130]  }
0x1cf: {  	v3 =	vld [tilespmem:$0x160];
	_ =	sdelay $0x4  }
0x1d0: {  	v2 =	vmul.f32 v3, v2;
	_ =	sdelay $0x1  }
0x1d1: {  	[tilespmem:v1+s16+$0x0] =	vst.idx.add.f32.msk $0xffff, v2  }
0x1d2: {  	v1 =	vld [tilespmem:$0x70]  }
0x1d3: {  	v2 =	vld [tilespmem:s23+$0x140]  }
0x1d4: {  	v3 =	vld [tilespmem:$0x170];
	_ =	sdelay $0x4  }
0x1d5: {  	v2 =	vmul.f32 v3, v2;
	_ =	sdelay $0x1  }
0x1d6: {  	s30 =	sadd.s32 $0x270, s22;
	[tilespmem:v1+s16+$0x0] =	vst.idx.add.f32.msk $0xffff, v2  }
0x1d7: {  	s25 =	sand.u32 $0x3FF0, s30;
	v1 =	vld [tilespmem:$0x80]  }
0x1d8: {  	v2 =	vld [tilespmem:s25+$0x280]  }
0x1d9: {  	v3 =	vld [tilespmem:$0x180];
	_ =	sdelay $0x4  }
0x1da: {  	v2 =	vmul.f32 v3, v2;
	_ =	sdelay $0x1  }
0x1db: {  	[tilespmem:v1+s16+$0x0] =	vst.idx.add.f32.msk $0xffff, v2  }
0x1dc: {  	v1 =	vld [tilespmem:$0x90]  }
0x1dd: {  	v2 =	vld [tilespmem:s23+$0x160]  }
0x1de: {  	v3 =	vld [tilespmem:$0x190];
	_ =	sdelay $0x4  }
0x1df: {  	v2 =	vmul.f32 v3, v2;
	_ =	sdelay $0x1  }
0x1e0: {  	[tilespmem:v1+s16+$0x0] =	vst.idx.add.f32.msk $0xffff, v2  }
0x1e1: {  	v1 =	vld [tilespmem:$0xA0]  }
0x1e2: {  	v2 =	vld [tilespmem:s23+$0x170]  }
0x1e3: {  	v3 =	vld [tilespmem:$0x1A0];
	_ =	sdelay $0x4  }
0x1e4: {  	v2 =	vmul.f32 v3, v2;
	_ =	sdelay $0x1  }
0x1e5: {  	[tilespmem:v1+s16+$0x0] =	vst.idx.add.f32.msk $0xffff, v2  }
0x1e6: {  	v1 =	vld [tilespmem:$0xB0]  }
0x1e7: {  	v2 =	vld [tilespmem:s23+$0x180]  }
0x1e8: {  	v3 =	vld [tilespmem:$0x1B0];
	_ =	sdelay $0x4  }
0x1e9: {  	v2 =	vmul.f32 v3, v2;
	_ =	sdelay $0x1  }
0x1ea: {  	[tilespmem:v1+s16+$0x0] =	vst.idx.add.f32.msk $0xffff, v2  }
0x1eb: {  	v1 =	vld [tilespmem:$0xC0]  }
0x1ec: {  	v2 =	vld [tilespmem:s23+$0x190]  }
0x1ed: {  	v3 =	vld [tilespmem:$0x1C0];
	_ =	sdelay $0x1  }
0x1ee: {  	s22 =	sadd.s32 $0x340, s22  }
0x1ef: {  	p0 =	sne.s32 s22, $0x3400  }
.Ltmp8:
0x1f0: {  	_ = 	snop;
	(pc) =	sbr.rel @p0 .LBB2_18-.Ltmp8, $3  }
0x1f1: {  	v2 =	vmul.f32 v3, v2;
	_ =	sdelay $0x1  }
0x1f2: {  	s31 =	sadd.s32 $0xBB8, s24;
	s24 =	sadd.s32 $0xFA0, s24;
	s23 =	sadd.s32 $0x340, s23;
	[tilespmem:v1+s16+$0x0] =	vst.idx.add.f32.msk $0xffff, v2  }
0x1f3: {  	[hbm4b:s31+s2] =	stream.linear.scatter [tilespmem:s16], [sflag:$0x4], $0x1F40, $0x38;
	[tilespmem:$0xB400] =	vst v63  }
0x1f4: {  	_ =	swait.ge [sflag:s17], $0x1F40  }
0x1f5: {  	[sflag:s17] =	ssyncset.done $0x0  }
0x1f6: {  	[sflag:s17] =	ssyncadd.s32 $0xFFFFE0C0  }
0x1f7: {  	_ =	swait.ge [sflag:s18], $0x1F40  }
0x1f8: {  	[sflag:s18] =	ssyncset.done $0x0  }
0x1f9: {  	s21 =	sadd.s32 $0x1, s21;
	[sflag:s18] =	ssyncadd.s32 $0xFFFFE0C0  }
0x1fa: {  	p0 =	sne.s32 s21, s6;
	_ =	swait.ge [sflag:s19], $0x1F40  }
.Ltmp9:
0x1fb: {  	[sflag:s19] =	ssyncset.done $0x0;
	(pc) =	sbr.rel @p0 .LBB2_1-.Ltmp9, $4  }
0x1fc: {  	[sflag:s19] =	ssyncadd.s32 $0xFFFFE0C0  }
0x1fd: {  	_ =	swait.ge [sflag:s20], $0x1F40  }
0x1fe: {  	[sflag:s20] =	ssyncset.done $0x0  }
0x1ff: {  	[sflag:s20] =	ssyncadd.s32 $0xFFFFE0C0  }
0x200: {  	_ =	sfence.sel $0x180000  }
0x201: {  	[bflag:$0x0] =	sbarrier.arrive $0xFFFF  }
0x202: {  	p0 =	sne.s32 s1, $0x0;
	_ =	strace $0x90000047  }
0x203: {  	s0 =	sadd.s32 @!p0 $0x100000, s0;
	[bflag:$0x2] =	sbarrier.arrive $0xFFFF  }
0x204: {  	[sflag:s0] =	ssyncadd.tile.s32 @!p0 $0x1;
	_ =	shalt  }
.Lfunc_end2:
_tile_overlayer_lowered:
.L_overlay_start_2:
0x205: {  	(tag) =	ssettag $0x2  }
0x206: {  	s0 =	rddreg [dreg:$0x0];
	s2 =	stileid.u32  }
0x207: {  	s1 =	rddreg [dreg:$0x1];
	p0 =	sne.s32 s2, $0x0  }
0x208: {  	s3 =	rddreg [dreg:$0x2];
	[bflag:$0x3] =	sbarrier.arrive $0xFFFF;
	s2 =	simm.s32 @!p0 $0x1C05  }
0x209: {  	[timem:s3], [sflag:s2] =	dma.local @!p0 [hbm:s0], s1  }
0x20a: {  	s0 =	simm.s32 @!p0 $0x5  }
0x20b: {  	_ =	swait.ge @!p0 [sflag:s0], s1  }
0x20c: {  	s1 =	ssub.s32 @!p0 $0x0, s1;
	[sflag:s0] =	ssyncset.done @!p0 $0x0  }
0x20d: {  	[sflag:s0] =	ssyncadd.s32 @!p0 s1  }
0x20e: {  	[bflag:$0x3] =	sbarrier.arrive $0xFFFF  }
0x20f: {  	_ =	shalt  }

</sc_bundles>
